<compile_context>
chip_gen: v7x
topology: tpu7x:2x2x1
jax: 0.10.2.dev20260603
libtpu: 0.0.44.dev20260713+nightly
codegen_flags: <defaults>
</compile_context>

<pallas_src>
import functools

import jax
import jax.numpy as jnp
from jax import lax
from jax.experimental import pallas as pl
from jax.experimental.pallas import tpu as pltpu
from jax.experimental.pallas import tpu_sc as plsc

E = 1600000
D = 16
G = 256
H = 128

NC = 2
NS = 16
NW = NC * NS
LANES = 16

EG = E // 128
NG = 20
NCH = 19
BULK_G = NG * NCH * NW
TAIL_G = EG - BULK_G
NGT = 11
CE = NG * 128
CW = NG * 8 * 128
CWT = NGT * 8 * 128
CET = NGT * 128
HALF = (E // 128) * 8 * 128

BIG = jnp.int32(2**30)
PT = (G + 8) * D


def _sc_segment_sums(attr_flat, batch):
  mesh = plsc.VectorSubcoreMesh(
      core_axis_name="c", subcore_axis_name="s",
      num_cores=NC, num_subcores=NS)

  @functools.partial(
      pl.kernel,
      out_type=[jax.ShapeDtypeStruct((NW * PT, ), jnp.float32),
                jax.ShapeDtypeStruct((NW * PT, ), jnp.float32)],
      mesh=mesh,
      scratch_types=[
          pltpu.VMEM((2 * CW,), jnp.float32),
          pltpu.VMEM((2 * CW,), jnp.float32),
          pltpu.VMEM((CE,), jnp.int32),
          pltpu.VMEM((CE,), jnp.int32),
          pltpu.VMEM((PT,), jnp.float32),
          pltpu.VMEM((PT,), jnp.float32),
          pltpu.SemaphoreType.DMA,
          pltpu.SemaphoreType.DMA,
      ],
      compiler_params=pltpu.CompilerParams(use_tc_tiling_on_sc=False,
                                           needs_layout_passes=False),
  )
  def k(attr_hbm, batch_hbm, sums_hbm, cnt_hbm,
        attr_v0, attr_v1, idx_v0, idx_v1, acc_sum, acc_cnt, in_s0, in_s1):
    cid = lax.axis_index("c")
    sid = lax.axis_index("s")
    wid = cid * NS + sid

    attr_bufs = (attr_v0, attr_v1)
    idx_bufs = (idx_v0, idx_v1)
    in_sems = (in_s0, in_s1)

    iota = lax.iota(jnp.int32, LANES)
    lane0 = iota == 0
    zf = jnp.zeros((LANES,), jnp.float32)
    zi = jnp.zeros((LANES,), jnp.int32)

    def zbody(i, carry):
      acc_sum[pl.ds(i * LANES, LANES)] = zf
      acc_cnt[pl.ds(i * LANES, LANES)] = zf
      return carry

    lax.fori_loop(0, PT // LANES, zbody, 0)

    def start_in(j, b):
      c = wid + NW * j
      pltpu.async_copy(attr_hbm.at[pl.ds(c * CW, CW)],
                       attr_bufs[b].at[pl.ds(0, CW)], in_sems[b])
      pltpu.async_copy(attr_hbm.at[pl.ds(HALF + c * CW, CW)],
                       attr_bufs[b].at[pl.ds(CW, CW)], in_sems[b])
      pltpu.async_copy(batch_hbm.at[pl.ds(c * CE, CE)], idx_bufs[b],
                       in_sems[b])

    def wait_in(j, b):
      c = wid + NW * j
      pltpu.make_async_copy(attr_hbm.at[pl.ds(c * CW, CW)],
                            attr_bufs[b].at[pl.ds(0, CW)], in_sems[b]).wait()
      pltpu.make_async_copy(attr_hbm.at[pl.ds(HALF + c * CW, CW)],
                            attr_bufs[b].at[pl.ds(CW, CW)], in_sems[b]).wait()
      pltpu.make_async_copy(batch_hbm.at[pl.ds(c * CE, CE)], idx_bufs[b],
                            in_sems[b]).wait()

    def flush(scur, runv, cnt_v):
      srow = jnp.where(scur < 0, G, scur) * D
      for f in range(D):
        tot = jnp.full((LANES,), jnp.sum(runv[f]))
        plsc.store_scatter(acc_sum, (srow + f,), tot, mask=lane0)
      ctot = jnp.full((LANES,), jnp.sum(cnt_v))
      plsc.store_scatter(acc_cnt, (srow + iota,), ctot)

    def consume(b, ng, carry):
      attr_v = attr_bufs[b]
      idx_v = idx_bufs[b]

      def feat_vec(g, e16, f):
        off = (CW if f >= 8 else 0) + (f & 7) * 128
        return attr_v[pl.ds(g * 1024 + off + e16 * LANES, LANES)]

      def group(g, carry):
        scur, runv, cnt_v = carry[0], list(carry[1]), carry[2]
        va = idx_v[pl.ds(g * 128, LANES)]
        vb = idx_v[pl.ds(g * 128 + 112, LANES)]
        first = va[zi]
        last = vb[jnp.full((LANES,), 15, jnp.int32)]
        fast = jnp.all((first == last) & (first == scur))

        def fast_fn(carry):
          scur, runv, cnt_v = carry[0], list(carry[1]), carry[2]
          for e16 in range(8):
            for f in range(D):
              runv[f] = runv[f] + feat_vec(g, e16, f)
          return (scur, tuple(runv), cnt_v + 8.0)

        def slow_fn(carry):
          scur, runv, cnt_v = carry[0], carry[1], carry[2]

          def sub(e16, carry):
            scur, runv, cnt_v = carry[0], list(carry[1]), carry[2]
            bvec = idx_v[pl.ds(g * 128 + e16 * LANES, LANES)]
            feats = [feat_vec(g, e16, f) for f in range(D)]

            def accum(scur, runv, cnt_v):
              m = jnp.where(bvec == scur, 1.0, 0.0)
              runv = [runv[f] + feats[f] * m for f in range(D)]
              return runv, cnt_v + m

            runv, cnt_v = accum(scur, runv, cnt_v)

            def wcond(carry):
              scur = carry[0]
              return jnp.any(bvec > scur)

            def wbody(carry):
              scur, runv, cnt_v = carry[0], list(carry[1]), carry[2]
              flush(scur, runv, cnt_v)
              rem = jnp.where(bvec > scur, bvec, BIG)
              scur = jnp.full((LANES,), jnp.min(rem))
              runv, cnt_v = accum(scur, [zf] * D, zf)
              return (scur, tuple(runv), cnt_v)

            return lax.while_loop(wcond, wbody, (scur, tuple(runv), cnt_v))

          return lax.fori_loop(0, 8, sub, (scur, runv, cnt_v))

        return lax.cond(fast, fast_fn, slow_fn, (scur, tuple(runv), cnt_v))

      return lax.fori_loop(0, ng, group, carry)

    tail_s = BULK_G + (TAIL_G * wid) // NW
    tail_n = BULK_G + (TAIL_G * (wid + 1)) // NW - tail_s

    def start_tail(b):
      pltpu.async_copy(attr_hbm.at[pl.ds(tail_s * 1024, CWT)],
                       attr_bufs[b].at[pl.ds(0, CWT)], in_sems[b])
      pltpu.async_copy(attr_hbm.at[pl.ds(HALF + tail_s * 1024, CWT)],
                       attr_bufs[b].at[pl.ds(CW, CWT)], in_sems[b])
      pltpu.async_copy(batch_hbm.at[pl.ds(tail_s * 128, CET)],
                       idx_bufs[b].at[pl.ds(0, CET)], in_sems[b])

    def wait_tail(b):
      pltpu.make_async_copy(attr_hbm.at[pl.ds(tail_s * 1024, CWT)],
                            attr_bufs[b].at[pl.ds(0, CWT)],
                            in_sems[b]).wait()
      pltpu.make_async_copy(attr_hbm.at[pl.ds(HALF + tail_s * 1024, CWT)],
                            attr_bufs[b].at[pl.ds(CW, CWT)],
                            in_sems[b]).wait()
      pltpu.make_async_copy(batch_hbm.at[pl.ds(tail_s * 128, CET)],
                            idx_bufs[b].at[pl.ds(0, CET)], in_sems[b]).wait()

    carry = (jnp.full((LANES,), -1, jnp.int32), tuple([zf] * D), zf)

    start_in(0, 0)
    start_in(1, 1)

    def pair(i, carry):
      j0 = 2 * i
      j1 = j0 + 1
      wait_in(j0, 0)

      @pl.when(j0 + 2 < NCH)
      def _():
        start_in(j0 + 2, 0)

      wait_in(j1, 1)

      @pl.when(j1 + 2 < NCH)
      def _():
        start_in(j1 + 2, 1)

      return carry

    carry = lax.fori_loop(0, NCH // 2, pair, carry)

    wait_in(NCH - 1, 0)
    start_tail(1)
    wait_tail(1)
    scur, runv, cnt_v = carry
    flush(scur, list(runv), cnt_v)

    pltpu.sync_copy(acc_sum, sums_hbm.at[pl.ds(wid * PT, PT)])
    pltpu.sync_copy(acc_cnt, cnt_hbm.at[pl.ds(wid * PT, PT)])

  return k(attr_flat, batch)


def _mlp(sums, cnt, W1, b1, W2, b2):
  w1b = jnp.kron(jnp.eye(8, dtype=jnp.float32), W1)
  b1b = jnp.tile(b1, 8).reshape(1, 8 * H)

  R = PT // 128

  def body(s_ref, c_ref, w1_ref, b1_ref, w2_ref, b2_ref, out_ref):
    s = s_ref[0:R, :]
    c = c_ref[0:R, :]
    for w in range(1, NW):
      s = s + s_ref[w * R:(w + 1) * R, :]
      c = c + c_ref[w * R:(w + 1) * R, :]
    mean = s / jnp.maximum(c, 1.0)
    h = jnp.dot(mean, w1_ref[:], preferred_element_type=jnp.float32)
    h = jnp.maximum(h + b1_ref[:], 0.0).reshape(PT // D, H)
    out = jnp.dot(h, w2_ref[:], preferred_element_type=jnp.float32)
    out_ref[:] = out[:G, :] + b2_ref[:]

  return pl.pallas_call(
      body,
      out_shape=jax.ShapeDtypeStruct((G, H), jnp.float32),
  )(sums.reshape(NW * PT // 128, 128), cnt.reshape(NW * PT // 128, 128),
    w1b, b1b, W2, b2.reshape(1, H))


def kernel(edge_attr, edge_batch, W1, b1, W2, b2):
  attr_flat = (edge_attr.reshape(EG, 128, 2, 8)
               .transpose(2, 0, 3, 1)
               .reshape(E * D))
  batch = edge_batch.astype(jnp.int32)
  sums, cnt = _sc_segment_sums(attr_flat, batch)
  return _mlp(sums, cnt, W1, b1, W2, b2)

# --- scband reference (transcript-rebuilt; emitter-appended) ---
"""Pipeline reference for scband-global-edge-embedding-33328946217097 (READ-ONLY COPY).

The authoritative reference and input builder live on the scoring server;
editing this copy changes nothing except your own understanding.
"""

import jax, jax.numpy as jnp
import numpy as np

E = 1600000
D = 16
G = 256
H = 128


def setup_inputs(seed: int = 0) -> dict:
    key = jax.random.key(seed)
    k1, k2, k3, k4 = jax.random.split(key, 4)
    edge_attr = jax.random.normal(k1, (E, D), dtype=jnp.float32)
    edge_batch = jnp.sort(jax.random.randint(k2, (E,), 0, G)).astype(jnp.int64)
    W1 = jax.random.normal(k3, (D, H), dtype=jnp.float32) * (1.0 / np.sqrt(D))
    b1 = jnp.zeros((H,), dtype=jnp.float32)
    W2 = jax.random.normal(k4, (H, H), dtype=jnp.float32) * (1.0 / np.sqrt(H))
    b2 = jnp.zeros((H,), dtype=jnp.float32)
    return {"edge_attr": edge_attr, "edge_batch": edge_batch, "W1": W1, "b1": b1, "W2": W2, "b2": b2}


def reference(edge_attr, edge_batch, W1, b1, W2, b2):
    # global_mean_pool: segment mean of edge_attr by edge_batch over G graphs
    sums = jax.ops.segment_sum(edge_attr, edge_batch, num_segments=G)
    counts = jax.ops.segment_sum(jnp.ones((edge_attr.shape[0], 1), dtype=edge_attr.dtype), edge_batch, num_segments=G)
    global_edge_attr = sums / jnp.maximum(counts, 1.0)
    # MLP: Linear -> ReLU -> Linear
    h = jnp.maximum(global_edge_attr @ W1 + b1, 0.0)
    global_emb = h @ W2 + b2
    return global_emb

if __name__ == "__main__":
    import jax
    _d = setup_inputs()
    print(jax.jit(kernel)(*tuple(_d.values())))

</pallas_src>

<mosaic_0001>
#map = affine_map<(d0, d1) -> (0)>
module attributes {stable_mosaic.version = 14 : i64} {
  func.func @k(%arg0: i32, %arg1: i32, %arg2: memref<25600000xf32, #tpu.memory_space<hbm>>, %arg3: memref<1600000xi32, #tpu.memory_space<hbm>>, %arg4: memref<135168xf32, #tpu.memory_space<hbm>>, %arg5: memref<135168xf32, #tpu.memory_space<hbm>>, %arg6: memref<40960xf32, #tpu.memory_space<vmem>>, %arg7: memref<40960xf32, #tpu.memory_space<vmem>>, %arg8: memref<2560xi32, #tpu.memory_space<vmem>>, %arg9: memref<2560xi32, #tpu.memory_space<vmem>>, %arg10: memref<4224xf32, #tpu.memory_space<vmem>>, %arg11: memref<4224xf32, #tpu.memory_space<vmem>>, %arg12: memref<!tpu.dma_semaphore, #tpu.memory_space<semaphore_mem>>, %arg13: memref<!tpu.dma_semaphore, #tpu.memory_space<semaphore_mem>>) attributes {dimension_semantics = [#tpu.dimension_semantics<core_parallel>, #tpu.dimension_semantics<subcore_parallel>], iteration_bounds = array<i64: 2, 16>, scalar_prefetch = 0 : i64, scratch_operands = 8 : i64, tpu.core_type = #tpu.core_type<sc_vector_subcore>, window_params = [{transform_indices = #map}, {transform_indices = #map}, {transform_indices = #map}, {transform_indices = #map}]} {
    %mul3A = arith.constant 16 : i32
    %mul3A_0 = arith.muli %arg0, %mul3A : i32
    %add3A = arith.addi %mul3A_0, %arg1 : i32
    %iota3A = tpu.iota {dimensions = array<i32: 0>} : vector<16xi32>
    %eq3A = arith.constant 0 : i32
    %eq3A_1 = vector.broadcast %eq3A : i32 to vector<16xi32>
    %eq3A_2 = arith.cmpi eq, %iota3A, %eq3A_1 : vector<16xi32>
    %broadcast_in_dim3A = arith.constant 0.000000e+00 : f32
    %broadcast_in_dim3A_3 = vector.broadcast %broadcast_in_dim3A : f32 to vector<16xf32>
    %broadcast_in_dim3A_4 = arith.constant 0 : i32
    %broadcast_in_dim3A_5 = vector.broadcast %broadcast_in_dim3A_4 : i32 to vector<16xi32>
    %scan3A = arith.constant 0 : i32
    %scan3A_6 = arith.constant 0 : i32
    %scan3A_7 = arith.constant 264 : i32
    %scan3A_8 = arith.addi %scan3A_6, %scan3A_7 : i32
    %scan3A_9 = arith.constant 1 : i32
    scf.for %scan3A_336 = %scan3A_6 to %scan3A_8 step %scan3A_9  : i32 {
      %mul3A_337 = arith.constant 16 : i32
      %mul3A_338 = arith.muli %scan3A_336, %mul3A_337 : i32
      %swap3A = arith.index_cast %mul3A_338 : i32 to index
      %swap3A_339 = tpu.vector_load %arg10[%swap3A] {strides = array<i32>} : memref<4224xf32, #tpu.memory_space<vmem>>, vector<16xf32>,
      tpu.vector_store %arg10[%swap3A], %broadcast_in_dim3A_3 {strides = array<i32>} : memref<4224xf32, #tpu.memory_space<vmem>>, vector<16xf32>,
      %mul3A_340 = arith.constant 16 : i32
      %mul3A_341 = arith.muli %scan3A_336, %mul3A_340 : i32
      %swap3A_342 = arith.index_cast %mul3A_341 : i32 to index
      %swap3A_343 = tpu.vector_load %arg11[%swap3A_342] {strides = array<i32>} : memref<4224xf32, #tpu.memory_space<vmem>>, vector<16xf32>,
      tpu.vector_store %arg11[%swap3A_342], %broadcast_in_dim3A_3 {strides = array<i32>} : memref<4224xf32, #tpu.memory_space<vmem>>, vector<16xf32>,
    }
    %scan3A_10 = arith.constant 264 : i32
    %mul3A_11 = arith.constant 340 : i32
    %mul3A_12 = arith.muli %mul3A_11, %add3A : i32
    %jit3A = arith.constant 32 : i32
    %div3A = arith.divsi %mul3A_12, %jit3A : i32
    %sign3A = arith.constant 0 : i32
    %sign3A_13 = arith.cmpi sgt, %mul3A_12, %sign3A : i32
    %sign3A_14 = arith.extui %sign3A_13 : i1 to i32
    %sign3A_15 = arith.constant 0 : i32
    %sign3A_16 = arith.cmpi slt, %mul3A_12, %sign3A_15 : i32
    %sign3A_17 = arith.extui %sign3A_16 : i1 to i32
    %sign3A_18 = arith.subi %sign3A_14, %sign3A_17 : i32
    %sign3A_19 = arith.constant 0 : i32
    %sign3A_20 = arith.cmpi sgt, %jit3A, %sign3A_19 : i32
    %sign3A_21 = arith.extui %sign3A_20 : i1 to i32
    %sign3A_22 = arith.constant 0 : i32
    %sign3A_23 = arith.cmpi slt, %jit3A, %sign3A_22 : i32
    %sign3A_24 = arith.extui %sign3A_23 : i1 to i32
    %sign3A_25 = arith.subi %sign3A_21, %sign3A_24 : i32
    %ne3A = arith.cmpi ne, %sign3A_18, %sign3A_25 : i32
    %rem3A = arith.remsi %mul3A_12, %jit3A : i32
    %ne3A_26 = arith.constant 0 : i32
    %ne3A_27 = arith.cmpi ne, %rem3A, %ne3A_26 : i32
    %and3A = arith.andi %ne3A, %ne3A_27 : i1
    %sub3A = arith.constant 1 : i32
    %sub3A_28 = arith.subi %div3A, %sub3A : i32
    %select_n3A = arith.select %and3A, %sub3A_28, %div3A : i32
    %add3A_29 = arith.constant 12160 : i32
    %add3A_30 = arith.addi %add3A_29, %select_n3A : i32
    %add3A_31 = arith.constant 1 : i32
    %add3A_32 = arith.addi %add3A, %add3A_31 : i32
    %mul3A_33 = arith.constant 340 : i32
    %mul3A_34 = arith.muli %mul3A_33, %add3A_32 : i32
    %jit3A_35 = arith.constant 32 : i32
    %div3A_36 = arith.divsi %mul3A_34, %jit3A_35 : i32
    %sign3A_37 = arith.constant 0 : i32
    %sign3A_38 = arith.cmpi sgt, %mul3A_34, %sign3A_37 : i32
    %sign3A_39 = arith.extui %sign3A_38 : i1 to i32
    %sign3A_40 = arith.constant 0 : i32
    %sign3A_41 = arith.cmpi slt, %mul3A_34, %sign3A_40 : i32
    %sign3A_42 = arith.extui %sign3A_41 : i1 to i32
    %sign3A_43 = arith.subi %sign3A_39, %sign3A_42 : i32
    %sign3A_44 = arith.constant 0 : i32
    %sign3A_45 = arith.cmpi sgt, %jit3A_35, %sign3A_44 : i32
    %sign3A_46 = arith.extui %sign3A_45 : i1 to i32
    %sign3A_47 = arith.constant 0 : i32
    %sign3A_48 = arith.cmpi slt, %jit3A_35, %sign3A_47 : i32
    %sign3A_49 = arith.extui %sign3A_48 : i1 to i32
    %sign3A_50 = arith.subi %sign3A_46, %sign3A_49 : i32
    %ne3A_51 = arith.cmpi ne, %sign3A_43, %sign3A_50 : i32
    %rem3A_52 = arith.remsi %mul3A_34, %jit3A_35 : i32
    %ne3A_53 = arith.constant 0 : i32
    %ne3A_54 = arith.cmpi ne, %rem3A_52, %ne3A_53 : i32
    %and3A_55 = arith.andi %ne3A_51, %ne3A_54 : i1
    %sub3A_56 = arith.constant 1 : i32
    %sub3A_57 = arith.subi %div3A_36, %sub3A_56 : i32
    %select_n3A_58 = arith.select %and3A_55, %sub3A_57, %div3A_36 : i32
    %add3A_59 = arith.constant 12160 : i32
    %add3A_60 = arith.addi %add3A_59, %select_n3A_58 : i32
    %sub3A_61 = arith.subi %add3A_60, %add3A_30 : i32
    %broadcast_in_dim3A_62 = arith.constant -1 : i32
    %broadcast_in_dim3A_63 = vector.broadcast %broadcast_in_dim3A_62 : i32 to vector<16xi32>
    %add3A_64 = arith.constant 0 : i32
    %add3A_65 = arith.addi %add3A, %add3A_64 : i32
    %mul3A_66 = arith.constant 20480 : i32
    %mul3A_67 = arith.muli %add3A_65, %mul3A_66 : i32
    %dma_start3A = arith.constant 0 : i32
    %dma_start3A_68 = tpu.memref_slice %arg6[%dma_start3A] : memref<40960xf32, #tpu.memory_space<vmem>> -> memref<20480xf32, #tpu.memory_space<vmem>>
    %dma_start3A_69 = tpu.memref_slice %arg2[%mul3A_67] : memref<25600000xf32, #tpu.memory_space<hbm>> -> memref<20480xf32, #tpu.memory_space<hbm>>
    %dma_start3A_70 = arith.constant 0 : i32
    %dma_start3A_71 = tpu.memref_slice %arg6[%dma_start3A_70] : memref<40960xf32, #tpu.memory_space<vmem>> -> memref<20480xf32, #tpu.memory_space<vmem>>
    %dma_start3A_72 = tpu.memref_slice %arg2[%mul3A_67] : memref<25600000xf32, #tpu.memory_space<hbm>> -> memref<20480xf32, #tpu.memory_space<hbm>>
    tpu.enqueue_dma source(%dma_start3A_72 : memref<20480xf32, #tpu.memory_space<hbm>>) target(%dma_start3A_71 : memref<20480xf32, #tpu.memory_space<vmem>>) target_semaphore(%arg12 : memref<!tpu.dma_semaphore, #tpu.memory_space<semaphore_mem>>)
    %mul3A_73 = arith.constant 20480 : i32
    %mul3A_74 = arith.muli %add3A_65, %mul3A_73 : i32
    %add3A_75 = arith.constant 12800000 : i32
    %add3A_76 = arith.addi %add3A_75, %mul3A_74 : i32
    %dma_start3A_77 = arith.constant 20480 : i32
    %dma_start3A_78 = tpu.memref_slice %arg6[%dma_start3A_77] : memref<40960xf32, #tpu.memory_space<vmem>> -> memref<20480xf32, #tpu.memory_space<vmem>>
    %dma_start3A_79 = tpu.memref_slice %arg2[%add3A_76] : memref<25600000xf32, #tpu.memory_space<hbm>> -> memref<20480xf32, #tpu.memory_space<hbm>>
    %dma_start3A_80 = arith.constant 20480 : i32
    %dma_start3A_81 = tpu.memref_slice %arg6[%dma_start3A_80] : memref<40960xf32, #tpu.memory_space<vmem>> -> memref<20480xf32, #tpu.memory_space<vmem>>
    %dma_start3A_82 = tpu.memref_slice %arg2[%add3A_76] : memref<25600000xf32, #tpu.memory_space<hbm>> -> memref<20480xf32, #tpu.memory_space<hbm>>
    tpu.enqueue_dma source(%dma_start3A_82 : memref<20480xf32, #tpu.memory_space<hbm>>) target(%dma_start3A_81 : memref<20480xf32, #tpu.memory_space<vmem>>) target_semaphore(%arg12 : memref<!tpu.dma_semaphore, #tpu.memory_space<semaphore_mem>>)
    %mul3A_83 = arith.constant 2560 : i32
    %mul3A_84 = arith.muli %add3A_65, %mul3A_83 : i32
    %dma_start3A_85 = tpu.memref_slice %arg3[%mul3A_84] : memref<1600000xi32, #tpu.memory_space<hbm>> -> memref<2560xi32, #tpu.memory_space<hbm>>
    %dma_start3A_86 = tpu.memref_slice %arg3[%mul3A_84] : memref<1600000xi32, #tpu.memory_space<hbm>> -> memref<2560xi32, #tpu.memory_space<hbm>>
    tpu.enqueue_dma source(%dma_start3A_86 : memref<2560xi32, #tpu.memory_space<hbm>>) target(%arg8 : memref<2560xi32, #tpu.memory_space<vmem>>) target_semaphore(%arg12 : memref<!tpu.dma_semaphore, #tpu.memory_space<semaphore_mem>>)
    %add3A_87 = arith.constant 32 : i32
    %add3A_88 = arith.addi %add3A, %add3A_87 : i32
    %mul3A_89 = arith.constant 20480 : i32
    %mul3A_90 = arith.muli %add3A_88, %mul3A_89 : i32
    %dma_start3A_91 = arith.constant 0 : i32
    %dma_start3A_92 = tpu.memref_slice %arg7[%dma_start3A_91] : memref<40960xf32, #tpu.memory_space<vmem>> -> memref<20480xf32, #tpu.memory_space<vmem>>
    %dma_start3A_93 = tpu.memref_slice %arg2[%mul3A_90] : memref<25600000xf32, #tpu.memory_space<hbm>> -> memref<20480xf32, #tpu.memory_space<hbm>>
    %dma_start3A_94 = arith.constant 0 : i32
    %dma_start3A_95 = tpu.memref_slice %arg7[%dma_start3A_94] : memref<40960xf32, #tpu.memory_space<vmem>> -> memref<20480xf32, #tpu.memory_space<vmem>>
    %dma_start3A_96 = tpu.memref_slice %arg2[%mul3A_90] : memref<25600000xf32, #tpu.memory_space<hbm>> -> memref<20480xf32, #tpu.memory_space<hbm>>
    tpu.enqueue_dma source(%dma_start3A_96 : memref<20480xf32, #tpu.memory_space<hbm>>) target(%dma_start3A_95 : memref<20480xf32, #tpu.memory_space<vmem>>) target_semaphore(%arg13 : memref<!tpu.dma_semaphore, #tpu.memory_space<semaphore_mem>>)
    %mul3A_97 = arith.constant 20480 : i32
    %mul3A_98 = arith.muli %add3A_88, %mul3A_97 : i32
    %add3A_99 = arith.constant 12800000 : i32
    %add3A_100 = arith.addi %add3A_99, %mul3A_98 : i32
    %dma_start3A_101 = arith.constant 20480 : i32
    %dma_start3A_102 = tpu.memref_slice %arg7[%dma_start3A_101] : memref<40960xf32, #tpu.memory_space<vmem>> -> memref<20480xf32, #tpu.memory_space<vmem>>
    %dma_start3A_103 = tpu.memref_slice %arg2[%add3A_100] : memref<25600000xf32, #tpu.memory_space<hbm>> -> memref<20480xf32, #tpu.memory_space<hbm>>
    %dma_start3A_104 = arith.constant 20480 : i32
    %dma_start3A_105 = tpu.memref_slice %arg7[%dma_start3A_104] : memref<40960xf32, #tpu.memory_space<vmem>> -> memref<20480xf32, #tpu.memory_space<vmem>>
    %dma_start3A_106 = tpu.memref_slice %arg2[%add3A_100] : memref<25600000xf32, #tpu.memory_space<hbm>> -> memref<20480xf32, #tpu.memory_space<hbm>>
    tpu.enqueue_dma source(%dma_start3A_106 : memref<20480xf32, #tpu.memory_space<hbm>>) target(%dma_start3A_105 : memref<20480xf32, #tpu.memory_space<vmem>>) target_semaphore(%arg13 : memref<!tpu.dma_semaphore, #tpu.memory_space<semaphore_mem>>)
    %mul3A_107 = arith.constant 2560 : i32
    %mul3A_108 = arith.muli %add3A_88, %mul3A_107 : i32
    %dma_start3A_109 = tpu.memref_slice %arg3[%mul3A_108] : memref<1600000xi32, #tpu.memory_space<hbm>> -> memref<2560xi32, #tpu.memory_space<hbm>>
    %dma_start3A_110 = tpu.memref_slice %arg3[%mul3A_108] : memref<1600000xi32, #tpu.memory_space<hbm>> -> memref<2560xi32, #tpu.memory_space<hbm>>
    tpu.enqueue_dma source(%dma_start3A_110 : memref<2560xi32, #tpu.memory_space<hbm>>) target(%arg9 : memref<2560xi32, #tpu.memory_space<vmem>>) target_semaphore(%arg13 : memref<!tpu.dma_semaphore, #tpu.memory_space<semaphore_mem>>)
    %scan3A_111 = arith.constant 0 : i32
    %scan3A_112 = arith.constant 9 : i32
    %scan3A_113 = arith.addi %scan3A_111, %scan3A_112 : i32
    %scan3A_114 = arith.constant 1 : i32
    scf.for %scan3A_336 = %scan3A_111 to %scan3A_113 step %scan3A_114  : i32 {
      %mul3A_337 = arith.constant 2 : i32
      %mul3A_338 = arith.muli %mul3A_337, %scan3A_336 : i32
      %add3A_339 = arith.constant 1 : i32
      %add3A_340 = arith.addi %mul3A_338, %add3A_339 : i32
      %mul3A_341 = arith.constant 32 : i32
      %mul3A_342 = arith.muli %mul3A_341, %mul3A_338 : i32
      %add3A_343 = arith.addi %add3A, %mul3A_342 : i32
      %mul3A_344 = arith.constant 20480 : i32
      %mul3A_345 = arith.muli %add3A_343, %mul3A_344 : i32
      %dma_wait3A_346 = arith.constant 0 : i32
      %dma_wait3A_347 = tpu.memref_slice %arg6[%dma_wait3A_346] : memref<40960xf32, #tpu.memory_space<vmem>> -> memref<20480xf32, #tpu.memory_space<vmem>>
      %dma_wait3A_348 = tpu.memref_slice %arg2[%mul3A_345] : memref<25600000xf32, #tpu.memory_space<hbm>> -> memref<20480xf32, #tpu.memory_space<hbm>>
      %dma_wait3A_349 = arith.constant 0 : i32
      %dma_wait3A_350 = tpu.memref_slice %arg6[%dma_wait3A_349] : memref<40960xf32, #tpu.memory_space<vmem>> -> memref<20480xf32, #tpu.memory_space<vmem>>
      %dma_wait3A_351 = tpu.memref_slice %arg2[%mul3A_345] : memref<25600000xf32, #tpu.memory_space<hbm>> -> memref<20480xf32, #tpu.memory_space<hbm>>
      tpu.wait_dma2 semaphore(%arg12 : memref<!tpu.dma_semaphore, #tpu.memory_space<semaphore_mem>>) src(%dma_wait3A_351 : memref<20480xf32, #tpu.memory_space<hbm>>) dst(%dma_wait3A_350 : memref<20480xf32, #tpu.memory_space<vmem>>)
      %mul3A_352 = arith.constant 20480 : i32
      %mul3A_353 = arith.muli %add3A_343, %mul3A_352 : i32
      %add3A_354 = arith.constant 12800000 : i32
      %add3A_355 = arith.addi %add3A_354, %mul3A_353 : i32
      %dma_wait3A_356 = arith.constant 20480 : i32
      %dma_wait3A_357 = tpu.memref_slice %arg6[%dma_wait3A_356] : memref<40960xf32, #tpu.memory_space<vmem>> -> memref<20480xf32, #tpu.memory_space<vmem>>
      %dma_wait3A_358 = tpu.memref_slice %arg2[%add3A_355] : memref<25600000xf32, #tpu.memory_space<hbm>> -> memref<20480xf32, #tpu.memory_space<hbm>>
      %dma_wait3A_359 = arith.constant 20480 : i32
      %dma_wait3A_360 = tpu.memref_slice %arg6[%dma_wait3A_359] : memref<40960xf32, #tpu.memory_space<vmem>> -> memref<20480xf32, #tpu.memory_space<vmem>>
      %dma_wait3A_361 = tpu.memref_slice %arg2[%add3A_355] : memref<25600000xf32, #tpu.memory_space<hbm>> -> memref<20480xf32, #tpu.memory_space<hbm>>
      tpu.wait_dma2 semaphore(%arg12 : memref<!tpu.dma_semaphore, #tpu.memory_space<semaphore_mem>>) src(%dma_wait3A_361 : memref<20480xf32, #tpu.memory_space<hbm>>) dst(%dma_wait3A_360 : memref<20480xf32, #tpu.memory_space<vmem>>)
      %mul3A_362 = arith.constant 2560 : i32
      %mul3A_363 = arith.muli %add3A_343, %mul3A_362 : i32
      %dma_wait3A_364 = tpu.memref_slice %arg3[%mul3A_363] : memref<1600000xi32, #tpu.memory_space<hbm>> -> memref<2560xi32, #tpu.memory_space<hbm>>
      %dma_wait3A_365 = tpu.memref_slice %arg3[%mul3A_363] : memref<1600000xi32, #tpu.memory_space<hbm>> -> memref<2560xi32, #tpu.memory_space<hbm>>
      tpu.wait_dma2 semaphore(%arg12 : memref<!tpu.dma_semaphore, #tpu.memory_space<semaphore_mem>>) src(%dma_wait3A_365 : memref<2560xi32, #tpu.memory_space<hbm>>) dst(%arg8 : memref<2560xi32, #tpu.memory_space<vmem>>)
      %add3A_366 = arith.constant 2 : i32
      %add3A_367 = arith.addi %mul3A_338, %add3A_366 : i32
      %lt3A_368 = arith.constant 19 : i32
      %lt3A_369 = arith.cmpi slt, %add3A_367, %lt3A_368 : i32
      %convert_element_type3A = arith.extui %lt3A_369 : i1 to i32
      %cond3A = arith.constant 0 : i32
      %cond3A_370 = arith.cmpi ne, %convert_element_type3A, %cond3A : i32
      scf.if %cond3A_370 {
        %add3A_403 = arith.constant 2 : i32
        %add3A_404 = arith.addi %mul3A_338, %add3A_403 : i32
        %mul3A_405 = arith.constant 32 : i32
        %mul3A_406 = arith.muli %mul3A_405, %add3A_404 : i32
        %add3A_407 = arith.addi %add3A, %mul3A_406 : i32
        %mul3A_408 = arith.constant 20480 : i32
        %mul3A_409 = arith.muli %add3A_407, %mul3A_408 : i32
        %dma_start3A_410 = arith.constant 0 : i32
        %dma_start3A_411 = tpu.memref_slice %arg6[%dma_start3A_410] : memref<40960xf32, #tpu.memory_space<vmem>> -> memref<20480xf32, #tpu.memory_space<vmem>>
        %dma_start3A_412 = tpu.memref_slice %arg2[%mul3A_409] : memref<25600000xf32, #tpu.memory_space<hbm>> -> memref<20480xf32, #tpu.memory_space<hbm>>
        %dma_start3A_413 = arith.constant 0 : i32
        %dma_start3A_414 = tpu.memref_slice %arg6[%dma_start3A_413] : memref<40960xf32, #tpu.memory_space<vmem>> -> memref<20480xf32, #tpu.memory_space<vmem>>
        %dma_start3A_415 = tpu.memref_slice %arg2[%mul3A_409] : memref<25600000xf32, #tpu.memory_space<hbm>> -> memref<20480xf32, #tpu.memory_space<hbm>>
        tpu.enqueue_dma source(%dma_start3A_415 : memref<20480xf32, #tpu.memory_space<hbm>>) target(%dma_start3A_414 : memref<20480xf32, #tpu.memory_space<vmem>>) target_semaphore(%arg12 : memref<!tpu.dma_semaphore, #tpu.memory_space<semaphore_mem>>)
        %mul3A_416 = arith.constant 20480 : i32
        %mul3A_417 = arith.muli %add3A_407, %mul3A_416 : i32
        %add3A_418 = arith.constant 12800000 : i32
        %add3A_419 = arith.addi %add3A_418, %mul3A_417 : i32
        %dma_start3A_420 = arith.constant 20480 : i32
        %dma_start3A_421 = tpu.memref_slice %arg6[%dma_start3A_420] : memref<40960xf32, #tpu.memory_space<vmem>> -> memref<20480xf32, #tpu.memory_space<vmem>>
        %dma_start3A_422 = tpu.memref_slice %arg2[%add3A_419] : memref<25600000xf32, #tpu.memory_space<hbm>> -> memref<20480xf32, #tpu.memory_space<hbm>>
        %dma_start3A_423 = arith.constant 20480 : i32
        %dma_start3A_424 = tpu.memref_slice %arg6[%dma_start3A_423] : memref<40960xf32, #tpu.memory_space<vmem>> -> memref<20480xf32, #tpu.memory_space<vmem>>
        %dma_start3A_425 = tpu.memref_slice %arg2[%add3A_419] : memref<25600000xf32, #tpu.memory_space<hbm>> -> memref<20480xf32, #tpu.memory_space<hbm>>
        tpu.enqueue_dma source(%dma_start3A_425 : memref<20480xf32, #tpu.memory_space<hbm>>) target(%dma_start3A_424 : memref<20480xf32, #tpu.memory_space<vmem>>) target_semaphore(%arg12 : memref<!tpu.dma_semaphore, #tpu.memory_space<semaphore_mem>>)
        %mul3A_426 = arith.constant 2560 : i32
        %mul3A_427 = arith.muli %add3A_407, %mul3A_426 : i32
        %dma_start3A_428 = tpu.memref_slice %arg3[%mul3A_427] : memref<1600000xi32, #tpu.memory_space<hbm>> -> memref<2560xi32, #tpu.memory_space<hbm>>
        %dma_start3A_429 = tpu.memref_slice %arg3[%mul3A_427] : memref<1600000xi32, #tpu.memory_space<hbm>> -> memref<2560xi32, #tpu.memory_space<hbm>>
        tpu.enqueue_dma source(%dma_start3A_429 : memref<2560xi32, #tpu.memory_space<hbm>>) target(%arg8 : memref<2560xi32, #tpu.memory_space<vmem>>) target_semaphore(%arg12 : memref<!tpu.dma_semaphore, #tpu.memory_space<semaphore_mem>>)
      } else {
      }
      %mul3A_371 = arith.constant 32 : i32
      %mul3A_372 = arith.muli %mul3A_371, %add3A_340 : i32
      %add3A_373 = arith.addi %add3A, %mul3A_372 : i32
      %mul3A_374 = arith.constant 20480 : i32
      %mul3A_375 = arith.muli %add3A_373, %mul3A_374 : i32
      %dma_wait3A_376 = arith.constant 0 : i32
      %dma_wait3A_377 = tpu.memref_slice %arg7[%dma_wait3A_376] : memref<40960xf32, #tpu.memory_space<vmem>> -> memref<20480xf32, #tpu.memory_space<vmem>>
      %dma_wait3A_378 = tpu.memref_slice %arg2[%mul3A_375] : memref<25600000xf32, #tpu.memory_space<hbm>> -> memref<20480xf32, #tpu.memory_space<hbm>>
      %dma_wait3A_379 = arith.constant 0 : i32
      %dma_wait3A_380 = tpu.memref_slice %arg7[%dma_wait3A_379] : memref<40960xf32, #tpu.memory_space<vmem>> -> memref<20480xf32, #tpu.memory_space<vmem>>
      %dma_wait3A_381 = tpu.memref_slice %arg2[%mul3A_375] : memref<25600000xf32, #tpu.memory_space<hbm>> -> memref<20480xf32, #tpu.memory_space<hbm>>
      tpu.wait_dma2 semaphore(%arg13 : memref<!tpu.dma_semaphore, #tpu.memory_space<semaphore_mem>>) src(%dma_wait3A_381 : memref<20480xf32, #tpu.memory_space<hbm>>) dst(%dma_wait3A_380 : memref<20480xf32, #tpu.memory_space<vmem>>)
      %mul3A_382 = arith.constant 20480 : i32
      %mul3A_383 = arith.muli %add3A_373, %mul3A_382 : i32
      %add3A_384 = arith.constant 12800000 : i32
      %add3A_385 = arith.addi %add3A_384, %mul3A_383 : i32
      %dma_wait3A_386 = arith.constant 20480 : i32
      %dma_wait3A_387 = tpu.memref_slice %arg7[%dma_wait3A_386] : memref<40960xf32, #tpu.memory_space<vmem>> -> memref<20480xf32, #tpu.memory_space<vmem>>
      %dma_wait3A_388 = tpu.memref_slice %arg2[%add3A_385] : memref<25600000xf32, #tpu.memory_space<hbm>> -> memref<20480xf32, #tpu.memory_space<hbm>>
      %dma_wait3A_389 = arith.constant 20480 : i32
      %dma_wait3A_390 = tpu.memref_slice %arg7[%dma_wait3A_389] : memref<40960xf32, #tpu.memory_space<vmem>> -> memref<20480xf32, #tpu.memory_space<vmem>>
      %dma_wait3A_391 = tpu.memref_slice %arg2[%add3A_385] : memref<25600000xf32, #tpu.memory_space<hbm>> -> memref<20480xf32, #tpu.memory_space<hbm>>
      tpu.wait_dma2 semaphore(%arg13 : memref<!tpu.dma_semaphore, #tpu.memory_space<semaphore_mem>>) src(%dma_wait3A_391 : memref<20480xf32, #tpu.memory_space<hbm>>) dst(%dma_wait3A_390 : memref<20480xf32, #tpu.memory_space<vmem>>)
      %mul3A_392 = arith.constant 2560 : i32
      %mul3A_393 = arith.muli %add3A_373, %mul3A_392 : i32
      %dma_wait3A_394 = tpu.memref_slice %arg3[%mul3A_393] : memref<1600000xi32, #tpu.memory_space<hbm>> -> memref<2560xi32, #tpu.memory_space<hbm>>
      %dma_wait3A_395 = tpu.memref_slice %arg3[%mul3A_393] : memref<1600000xi32, #tpu.memory_space<hbm>> -> memref<2560xi32, #tpu.memory_space<hbm>>
      tpu.wait_dma2 semaphore(%arg13 : memref<!tpu.dma_semaphore, #tpu.memory_space<semaphore_mem>>) src(%dma_wait3A_395 : memref<2560xi32, #tpu.memory_space<hbm>>) dst(%arg9 : memref<2560xi32, #tpu.memory_space<vmem>>)
      %add3A_396 = arith.constant 2 : i32
      %add3A_397 = arith.addi %add3A_340, %add3A_396 : i32
      %lt3A_398 = arith.constant 19 : i32
      %lt3A_399 = arith.cmpi slt, %add3A_397, %lt3A_398 : i32
      %convert_element_type3A_400 = arith.extui %lt3A_399 : i1 to i32
      %cond3A_401 = arith.constant 0 : i32
      %cond3A_402 = arith.cmpi ne, %convert_element_type3A_400, %cond3A_401 : i32
      scf.if %cond3A_402 {
        %add3A_403 = arith.constant 2 : i32
        %add3A_404 = arith.addi %add3A_340, %add3A_403 : i32
        %mul3A_405 = arith.constant 32 : i32
        %mul3A_406 = arith.muli %mul3A_405, %add3A_404 : i32
        %add3A_407 = arith.addi %add3A, %mul3A_406 : i32
        %mul3A_408 = arith.constant 20480 : i32
        %mul3A_409 = arith.muli %add3A_407, %mul3A_408 : i32
        %dma_start3A_410 = arith.constant 0 : i32
        %dma_start3A_411 = tpu.memref_slice %arg7[%dma_start3A_410] : memref<40960xf32, #tpu.memory_space<vmem>> -> memref<20480xf32, #tpu.memory_space<vmem>>
        %dma_start3A_412 = tpu.memref_slice %arg2[%mul3A_409] : memref<25600000xf32, #tpu.memory_space<hbm>> -> memref<20480xf32, #tpu.memory_space<hbm>>
        %dma_start3A_413 = arith.constant 0 : i32
        %dma_start3A_414 = tpu.memref_slice %arg7[%dma_start3A_413] : memref<40960xf32, #tpu.memory_space<vmem>> -> memref<20480xf32, #tpu.memory_space<vmem>>
        %dma_start3A_415 = tpu.memref_slice %arg2[%mul3A_409] : memref<25600000xf32, #tpu.memory_space<hbm>> -> memref<20480xf32, #tpu.memory_space<hbm>>
        tpu.enqueue_dma source(%dma_start3A_415 : memref<20480xf32, #tpu.memory_space<hbm>>) target(%dma_start3A_414 : memref<20480xf32, #tpu.memory_space<vmem>>) target_semaphore(%arg13 : memref<!tpu.dma_semaphore, #tpu.memory_space<semaphore_mem>>)
        %mul3A_416 = arith.constant 20480 : i32
        %mul3A_417 = arith.muli %add3A_407, %mul3A_416 : i32
        %add3A_418 = arith.constant 12800000 : i32
        %add3A_419 = arith.addi %add3A_418, %mul3A_417 : i32
        %dma_start3A_420 = arith.constant 20480 : i32
        %dma_start3A_421 = tpu.memref_slice %arg7[%dma_start3A_420] : memref<40960xf32, #tpu.memory_space<vmem>> -> memref<20480xf32, #tpu.memory_space<vmem>>
        %dma_start3A_422 = tpu.memref_slice %arg2[%add3A_419] : memref<25600000xf32, #tpu.memory_space<hbm>> -> memref<20480xf32, #tpu.memory_space<hbm>>
        %dma_start3A_423 = arith.constant 20480 : i32
        %dma_start3A_424 = tpu.memref_slice %arg7[%dma_start3A_423] : memref<40960xf32, #tpu.memory_space<vmem>> -> memref<20480xf32, #tpu.memory_space<vmem>>
        %dma_start3A_425 = tpu.memref_slice %arg2[%add3A_419] : memref<25600000xf32, #tpu.memory_space<hbm>> -> memref<20480xf32, #tpu.memory_space<hbm>>
        tpu.enqueue_dma source(%dma_start3A_425 : memref<20480xf32, #tpu.memory_space<hbm>>) target(%dma_start3A_424 : memref<20480xf32, #tpu.memory_space<vmem>>) target_semaphore(%arg13 : memref<!tpu.dma_semaphore, #tpu.memory_space<semaphore_mem>>)
        %mul3A_426 = arith.constant 2560 : i32
        %mul3A_427 = arith.muli %add3A_407, %mul3A_426 : i32
        %dma_start3A_428 = tpu.memref_slice %arg3[%mul3A_427] : memref<1600000xi32, #tpu.memory_space<hbm>> -> memref<2560xi32, #tpu.memory_space<hbm>>
        %dma_start3A_429 = tpu.memref_slice %arg3[%mul3A_427] : memref<1600000xi32, #tpu.memory_space<hbm>> -> memref<2560xi32, #tpu.memory_space<hbm>>
        tpu.enqueue_dma source(%dma_start3A_429 : memref<2560xi32, #tpu.memory_space<hbm>>) target(%arg9 : memref<2560xi32, #tpu.memory_space<vmem>>) target_semaphore(%arg13 : memref<!tpu.dma_semaphore, #tpu.memory_space<semaphore_mem>>)
      } else {
      }
    }
    %scan3A_115 = arith.constant 9 : i32
    %add3A_116 = arith.constant 576 : i32
    %add3A_117 = arith.addi %add3A, %add3A_116 : i32
    %mul3A_118 = arith.constant 20480 : i32
    %mul3A_119 = arith.muli %add3A_117, %mul3A_118 : i32
    %dma_wait3A = arith.constant 0 : i32
    %dma_wait3A_120 = tpu.memref_slice %arg6[%dma_wait3A] : memref<40960xf32, #tpu.memory_space<vmem>> -> memref<20480xf32, #tpu.memory_space<vmem>>
    %dma_wait3A_121 = tpu.memref_slice %arg2[%mul3A_119] : memref<25600000xf32, #tpu.memory_space<hbm>> -> memref<20480xf32, #tpu.memory_space<hbm>>
    %dma_wait3A_122 = arith.constant 0 : i32
    %dma_wait3A_123 = tpu.memref_slice %arg6[%dma_wait3A_122] : memref<40960xf32, #tpu.memory_space<vmem>> -> memref<20480xf32, #tpu.memory_space<vmem>>
    %dma_wait3A_124 = tpu.memref_slice %arg2[%mul3A_119] : memref<25600000xf32, #tpu.memory_space<hbm>> -> memref<20480xf32, #tpu.memory_space<hbm>>
    tpu.wait_dma2 semaphore(%arg12 : memref<!tpu.dma_semaphore, #tpu.memory_space<semaphore_mem>>) src(%dma_wait3A_124 : memref<20480xf32, #tpu.memory_space<hbm>>) dst(%dma_wait3A_123 : memref<20480xf32, #tpu.memory_space<vmem>>)
    %mul3A_125 = arith.constant 20480 : i32
    %mul3A_126 = arith.muli %add3A_117, %mul3A_125 : i32
    %add3A_127 = arith.constant 12800000 : i32
    %add3A_128 = arith.addi %add3A_127, %mul3A_126 : i32
    %dma_wait3A_129 = arith.constant 20480 : i32
    %dma_wait3A_130 = tpu.memref_slice %arg6[%dma_wait3A_129] : memref<40960xf32, #tpu.memory_space<vmem>> -> memref<20480xf32, #tpu.memory_space<vmem>>
    %dma_wait3A_131 = tpu.memref_slice %arg2[%add3A_128] : memref<25600000xf32, #tpu.memory_space<hbm>> -> memref<20480xf32, #tpu.memory_space<hbm>>
    %dma_wait3A_132 = arith.constant 20480 : i32
    %dma_wait3A_133 = tpu.memref_slice %arg6[%dma_wait3A_132] : memref<40960xf32, #tpu.memory_space<vmem>> -> memref<20480xf32, #tpu.memory_space<vmem>>
    %dma_wait3A_134 = tpu.memref_slice %arg2[%add3A_128] : memref<25600000xf32, #tpu.memory_space<hbm>> -> memref<20480xf32, #tpu.memory_space<hbm>>
    tpu.wait_dma2 semaphore(%arg12 : memref<!tpu.dma_semaphore, #tpu.memory_space<semaphore_mem>>) src(%dma_wait3A_134 : memref<20480xf32, #tpu.memory_space<hbm>>) dst(%dma_wait3A_133 : memref<20480xf32, #tpu.memory_space<vmem>>)
    %mul3A_135 = arith.constant 2560 : i32
    %mul3A_136 = arith.muli %add3A_117, %mul3A_135 : i32
    %dma_wait3A_137 = tpu.memref_slice %arg3[%mul3A_136] : memref<1600000xi32, #tpu.memory_space<hbm>> -> memref<2560xi32, #tpu.memory_space<hbm>>
    %dma_wait3A_138 = tpu.memref_slice %arg3[%mul3A_136] : memref<1600000xi32, #tpu.memory_space<hbm>> -> memref<2560xi32, #tpu.memory_space<hbm>>
    tpu.wait_dma2 semaphore(%arg12 : memref<!tpu.dma_semaphore, #tpu.memory_space<semaphore_mem>>) src(%dma_wait3A_138 : memref<2560xi32, #tpu.memory_space<hbm>>) dst(%arg8 : memref<2560xi32, #tpu.memory_space<vmem>>)
    %mul3A_139 = arith.constant 1024 : i32
    %mul3A_140 = arith.muli %add3A_30, %mul3A_139 : i32
    %dma_start3A_141 = arith.constant 0 : i32
    %dma_start3A_142 = tpu.memref_slice %arg7[%dma_start3A_141] : memref<40960xf32, #tpu.memory_space<vmem>> -> memref<11264xf32, #tpu.memory_space<vmem>>
    %dma_start3A_143 = tpu.memref_slice %arg2[%mul3A_140] : memref<25600000xf32, #tpu.memory_space<hbm>> -> memref<11264xf32, #tpu.memory_space<hbm>>
    %dma_start3A_144 = arith.constant 0 : i32
    %dma_start3A_145 = tpu.memref_slice %arg7[%dma_start3A_144] : memref<40960xf32, #tpu.memory_space<vmem>> -> memref<11264xf32, #tpu.memory_space<vmem>>
    %dma_start3A_146 = tpu.memref_slice %arg2[%mul3A_140] : memref<25600000xf32, #tpu.memory_space<hbm>> -> memref<11264xf32, #tpu.memory_space<hbm>>
    tpu.enqueue_dma source(%dma_start3A_146 : memref<11264xf32, #tpu.memory_space<hbm>>) target(%dma_start3A_145 : memref<11264xf32, #tpu.memory_space<vmem>>) target_semaphore(%arg13 : memref<!tpu.dma_semaphore, #tpu.memory_space<semaphore_mem>>)
    %mul3A_147 = arith.constant 1024 : i32
    %mul3A_148 = arith.muli %add3A_30, %mul3A_147 : i32
    %add3A_149 = arith.constant 12800000 : i32
    %add3A_150 = arith.addi %add3A_149, %mul3A_148 : i32
    %dma_start3A_151 = arith.constant 20480 : i32
    %dma_start3A_152 = tpu.memref_slice %arg7[%dma_start3A_151] : memref<40960xf32, #tpu.memory_space<vmem>> -> memref<11264xf32, #tpu.memory_space<vmem>>
    %dma_start3A_153 = tpu.memref_slice %arg2[%add3A_150] : memref<25600000xf32, #tpu.memory_space<hbm>> -> memref<11264xf32, #tpu.memory_space<hbm>>
    %dma_start3A_154 = arith.constant 20480 : i32
    %dma_start3A_155 = tpu.memref_slice %arg7[%dma_start3A_154] : memref<40960xf32, #tpu.memory_space<vmem>> -> memref<11264xf32, #tpu.memory_space<vmem>>
    %dma_start3A_156 = tpu.memref_slice %arg2[%add3A_150] : memref<25600000xf32, #tpu.memory_space<hbm>> -> memref<11264xf32, #tpu.memory_space<hbm>>
    tpu.enqueue_dma source(%dma_start3A_156 : memref<11264xf32, #tpu.memory_space<hbm>>) target(%dma_start3A_155 : memref<11264xf32, #tpu.memory_space<vmem>>) target_semaphore(%arg13 : memref<!tpu.dma_semaphore, #tpu.memory_space<semaphore_mem>>)
    %mul3A_157 = arith.constant 128 : i32
    %mul3A_158 = arith.muli %add3A_30, %mul3A_157 : i32
    %dma_start3A_159 = arith.constant 0 : i32
    %dma_start3A_160 = tpu.memref_slice %arg9[%dma_start3A_159] : memref<2560xi32, #tpu.memory_space<vmem>> -> memref<1408xi32, #tpu.memory_space<vmem>>
    %dma_start3A_161 = tpu.memref_slice %arg3[%mul3A_158] : memref<1600000xi32, #tpu.memory_space<hbm>> -> memref<1408xi32, #tpu.memory_space<hbm>>
    %dma_start3A_162 = arith.constant 0 : i32
    %dma_start3A_163 = tpu.memref_slice %arg9[%dma_start3A_162] : memref<2560xi32, #tpu.memory_space<vmem>> -> memref<1408xi32, #tpu.memory_space<vmem>>
    %dma_start3A_164 = tpu.memref_slice %arg3[%mul3A_158] : memref<1600000xi32, #tpu.memory_space<hbm>> -> memref<1408xi32, #tpu.memory_space<hbm>>
    tpu.enqueue_dma source(%dma_start3A_164 : memref<1408xi32, #tpu.memory_space<hbm>>) target(%dma_start3A_163 : memref<1408xi32, #tpu.memory_space<vmem>>) target_semaphore(%arg13 : memref<!tpu.dma_semaphore, #tpu.memory_space<semaphore_mem>>)
    %mul3A_165 = arith.constant 1024 : i32
    %mul3A_166 = arith.muli %add3A_30, %mul3A_165 : i32
    %dma_wait3A_167 = arith.constant 0 : i32
    %dma_wait3A_168 = tpu.memref_slice %arg7[%dma_wait3A_167] : memref<40960xf32, #tpu.memory_space<vmem>> -> memref<11264xf32, #tpu.memory_space<vmem>>
    %dma_wait3A_169 = tpu.memref_slice %arg2[%mul3A_166] : memref<25600000xf32, #tpu.memory_space<hbm>> -> memref<11264xf32, #tpu.memory_space<hbm>>
    %dma_wait3A_170 = arith.constant 0 : i32
    %dma_wait3A_171 = tpu.memref_slice %arg7[%dma_wait3A_170] : memref<40960xf32, #tpu.memory_space<vmem>> -> memref<11264xf32, #tpu.memory_space<vmem>>
    %dma_wait3A_172 = tpu.memref_slice %arg2[%mul3A_166] : memref<25600000xf32, #tpu.memory_space<hbm>> -> memref<11264xf32, #tpu.memory_space<hbm>>
    tpu.wait_dma2 semaphore(%arg13 : memref<!tpu.dma_semaphore, #tpu.memory_space<semaphore_mem>>) src(%dma_wait3A_172 : memref<11264xf32, #tpu.memory_space<hbm>>) dst(%dma_wait3A_171 : memref<11264xf32, #tpu.memory_space<vmem>>)
    %mul3A_173 = arith.constant 1024 : i32
    %mul3A_174 = arith.muli %add3A_30, %mul3A_173 : i32
    %add3A_175 = arith.constant 12800000 : i32
    %add3A_176 = arith.addi %add3A_175, %mul3A_174 : i32
    %dma_wait3A_177 = arith.constant 20480 : i32
    %dma_wait3A_178 = tpu.memref_slice %arg7[%dma_wait3A_177] : memref<40960xf32, #tpu.memory_space<vmem>> -> memref<11264xf32, #tpu.memory_space<vmem>>
    %dma_wait3A_179 = tpu.memref_slice %arg2[%add3A_176] : memref<25600000xf32, #tpu.memory_space<hbm>> -> memref<11264xf32, #tpu.memory_space<hbm>>
    %dma_wait3A_180 = arith.constant 20480 : i32
    %dma_wait3A_181 = tpu.memref_slice %arg7[%dma_wait3A_180] : memref<40960xf32, #tpu.memory_space<vmem>> -> memref<11264xf32, #tpu.memory_space<vmem>>
    %dma_wait3A_182 = tpu.memref_slice %arg2[%add3A_176] : memref<25600000xf32, #tpu.memory_space<hbm>> -> memref<11264xf32, #tpu.memory_space<hbm>>
    tpu.wait_dma2 semaphore(%arg13 : memref<!tpu.dma_semaphore, #tpu.memory_space<semaphore_mem>>) src(%dma_wait3A_182 : memref<11264xf32, #tpu.memory_space<hbm>>) dst(%dma_wait3A_181 : memref<11264xf32, #tpu.memory_space<vmem>>)
    %mul3A_183 = arith.constant 128 : i32
    %mul3A_184 = arith.muli %add3A_30, %mul3A_183 : i32
    %dma_wait3A_185 = arith.constant 0 : i32
    %dma_wait3A_186 = tpu.memref_slice %arg9[%dma_wait3A_185] : memref<2560xi32, #tpu.memory_space<vmem>> -> memref<1408xi32, #tpu.memory_space<vmem>>
    %dma_wait3A_187 = tpu.memref_slice %arg3[%mul3A_184] : memref<1600000xi32, #tpu.memory_space<hbm>> -> memref<1408xi32, #tpu.memory_space<hbm>>
    %dma_wait3A_188 = arith.constant 0 : i32
    %dma_wait3A_189 = tpu.memref_slice %arg9[%dma_wait3A_188] : memref<2560xi32, #tpu.memory_space<vmem>> -> memref<1408xi32, #tpu.memory_space<vmem>>
    %dma_wait3A_190 = tpu.memref_slice %arg3[%mul3A_184] : memref<1600000xi32, #tpu.memory_space<hbm>> -> memref<1408xi32, #tpu.memory_space<hbm>>
    tpu.wait_dma2 semaphore(%arg13 : memref<!tpu.dma_semaphore, #tpu.memory_space<semaphore_mem>>) src(%dma_wait3A_190 : memref<1408xi32, #tpu.memory_space<hbm>>) dst(%dma_wait3A_189 : memref<1408xi32, #tpu.memory_space<vmem>>)
    %lt3A = arith.constant 0 : i32
    %lt3A_191 = vector.broadcast %lt3A : i32 to vector<16xi32>
    %lt3A_192 = arith.cmpi slt, %broadcast_in_dim3A_63, %lt3A_191 : vector<16xi32>
    %jit3A_193 = arith.constant 256 : i32
    %broadcast_in_dim3A_194 = vector.broadcast %jit3A_193 : i32 to vector<16xi32>
    %select_n3A_195 = arith.select %lt3A_192, %broadcast_in_dim3A_194, %broadcast_in_dim3A_63 : vector<16xi1>, vector<16xi32>
    %mul3A_196 = arith.constant 16 : i32
    %mul3A_197 = vector.broadcast %mul3A_196 : i32 to vector<16xi32>
    %mul3A_198 = arith.muli %select_n3A_195, %mul3A_197 : vector<16xi32>
    %reduce_sum3A = arith.constant true
    %reduce_sum3A_199 = vector.broadcast %reduce_sum3A : i1 to vector<16xi1>
    %reduce_sum3A_200 = tpu.scan <sum>, %broadcast_in_dim3A_3 masked %reduce_sum3A_199 : vector<16xf32>, vector<16xi1> -> vector<16xf32>
    %reduce_sum3A_201 = vector.extract %reduce_sum3A_200[15] : f32 from vector<16xf32>
    %broadcast_in_dim3A_202 = vector.broadcast %reduce_sum3A_201 : f32 to vector<16xf32>
    %add3A_203 = arith.constant 0 : i32
    %add3A_204 = vector.broadcast %add3A_203 : i32 to vector<16xi32>
    %add3A_205 = arith.addi %mul3A_198, %add3A_204 : vector<16xi32>
    tpu.vector_store_idx %arg10[%add3A_205], %broadcast_in_dim3A_202 masked %eq3A_2 : memref<4224xf32, #tpu.memory_space<vmem>>[vector<16xi32>], vector<16xf32>, vector<16xi1>
    %reduce_sum3A_206 = arith.constant true
    %reduce_sum3A_207 = vector.broadcast %reduce_sum3A_206 : i1 to vector<16xi1>
    %reduce_sum3A_208 = tpu.scan <sum>, %broadcast_in_dim3A_3 masked %reduce_sum3A_207 : vector<16xf32>, vector<16xi1> -> vector<16xf32>
    %reduce_sum3A_209 = vector.extract %reduce_sum3A_208[15] : f32 from vector<16xf32>
    %broadcast_in_dim3A_210 = vector.broadcast %reduce_sum3A_209 : f32 to vector<16xf32>
    %add3A_211 = arith.constant 1 : i32
    %add3A_212 = vector.broadcast %add3A_211 : i32 to vector<16xi32>
    %add3A_213 = arith.addi %mul3A_198, %add3A_212 : vector<16xi32>
    tpu.vector_store_idx %arg10[%add3A_213], %broadcast_in_dim3A_210 masked %eq3A_2 : memref<4224xf32, #tpu.memory_space<vmem>>[vector<16xi32>], vector<16xf32>, vector<16xi1>
    %reduce_sum3A_214 = arith.constant true
    %reduce_sum3A_215 = vector.broadcast %reduce_sum3A_214 : i1 to vector<16xi1>
    %reduce_sum3A_216 = tpu.scan <sum>, %broadcast_in_dim3A_3 masked %reduce_sum3A_215 : vector<16xf32>, vector<16xi1> -> vector<16xf32>
    %reduce_sum3A_217 = vector.extract %reduce_sum3A_216[15] : f32 from vector<16xf32>
    %broadcast_in_dim3A_218 = vector.broadcast %reduce_sum3A_217 : f32 to vector<16xf32>
    %add3A_219 = arith.constant 2 : i32
    %add3A_220 = vector.broadcast %add3A_219 : i32 to vector<16xi32>
    %add3A_221 = arith.addi %mul3A_198, %add3A_220 : vector<16xi32>
    tpu.vector_store_idx %arg10[%add3A_221], %broadcast_in_dim3A_218 masked %eq3A_2 : memref<4224xf32, #tpu.memory_space<vmem>>[vector<16xi32>], vector<16xf32>, vector<16xi1>
    %reduce_sum3A_222 = arith.constant true
    %reduce_sum3A_223 = vector.broadcast %reduce_sum3A_222 : i1 to vector<16xi1>
    %reduce_sum3A_224 = tpu.scan <sum>, %broadcast_in_dim3A_3 masked %reduce_sum3A_223 : vector<16xf32>, vector<16xi1> -> vector<16xf32>
    %reduce_sum3A_225 = vector.extract %reduce_sum3A_224[15] : f32 from vector<16xf32>
    %broadcast_in_dim3A_226 = vector.broadcast %reduce_sum3A_225 : f32 to vector<16xf32>
    %add3A_227 = arith.constant 3 : i32
    %add3A_228 = vector.broadcast %add3A_227 : i32 to vector<16xi32>
    %add3A_229 = arith.addi %mul3A_198, %add3A_228 : vector<16xi32>
    tpu.vector_store_idx %arg10[%add3A_229], %broadcast_in_dim3A_226 masked %eq3A_2 : memref<4224xf32, #tpu.memory_space<vmem>>[vector<16xi32>], vector<16xf32>, vector<16xi1>
    %reduce_sum3A_230 = arith.constant true
    %reduce_sum3A_231 = vector.broadcast %reduce_sum3A_230 : i1 to vector<16xi1>
    %reduce_sum3A_232 = tpu.scan <sum>, %broadcast_in_dim3A_3 masked %reduce_sum3A_231 : vector<16xf32>, vector<16xi1> -> vector<16xf32>
    %reduce_sum3A_233 = vector.extract %reduce_sum3A_232[15] : f32 from vector<16xf32>
    %broadcast_in_dim3A_234 = vector.broadcast %reduce_sum3A_233 : f32 to vector<16xf32>
    %add3A_235 = arith.constant 4 : i32
    %add3A_236 = vector.broadcast %add3A_235 : i32 to vector<16xi32>
    %add3A_237 = arith.addi %mul3A_198, %add3A_236 : vector<16xi32>
    tpu.vector_store_idx %arg10[%add3A_237], %broadcast_in_dim3A_234 masked %eq3A_2 : memref<4224xf32, #tpu.memory_space<vmem>>[vector<16xi32>], vector<16xf32>, vector<16xi1>
    %reduce_sum3A_238 = arith.constant true
    %reduce_sum3A_239 = vector.broadcast %reduce_sum3A_238 : i1 to vector<16xi1>
    %reduce_sum3A_240 = tpu.scan <sum>, %broadcast_in_dim3A_3 masked %reduce_sum3A_239 : vector<16xf32>, vector<16xi1> -> vector<16xf32>
    %reduce_sum3A_241 = vector.extract %reduce_sum3A_240[15] : f32 from vector<16xf32>
    %broadcast_in_dim3A_242 = vector.broadcast %reduce_sum3A_241 : f32 to vector<16xf32>
    %add3A_243 = arith.constant 5 : i32
    %add3A_244 = vector.broadcast %add3A_243 : i32 to vector<16xi32>
    %add3A_245 = arith.addi %mul3A_198, %add3A_244 : vector<16xi32>
    tpu.vector_store_idx %arg10[%add3A_245], %broadcast_in_dim3A_242 masked %eq3A_2 : memref<4224xf32, #tpu.memory_space<vmem>>[vector<16xi32>], vector<16xf32>, vector<16xi1>
    %reduce_sum3A_246 = arith.constant true
    %reduce_sum3A_247 = vector.broadcast %reduce_sum3A_246 : i1 to vector<16xi1>
    %reduce_sum3A_248 = tpu.scan <sum>, %broadcast_in_dim3A_3 masked %reduce_sum3A_247 : vector<16xf32>, vector<16xi1> -> vector<16xf32>
    %reduce_sum3A_249 = vector.extract %reduce_sum3A_248[15] : f32 from vector<16xf32>
    %broadcast_in_dim3A_250 = vector.broadcast %reduce_sum3A_249 : f32 to vector<16xf32>
    %add3A_251 = arith.constant 6 : i32
    %add3A_252 = vector.broadcast %add3A_251 : i32 to vector<16xi32>
    %add3A_253 = arith.addi %mul3A_198, %add3A_252 : vector<16xi32>
    tpu.vector_store_idx %arg10[%add3A_253], %broadcast_in_dim3A_250 masked %eq3A_2 : memref<4224xf32, #tpu.memory_space<vmem>>[vector<16xi32>], vector<16xf32>, vector<16xi1>
    %reduce_sum3A_254 = arith.constant true
    %reduce_sum3A_255 = vector.broadcast %reduce_sum3A_254 : i1 to vector<16xi1>
    %reduce_sum3A_256 = tpu.scan <sum>, %broadcast_in_dim3A_3 masked %reduce_sum3A_255 : vector<16xf32>, vector<16xi1> -> vector<16xf32>
    %reduce_sum3A_257 = vector.extract %reduce_sum3A_256[15] : f32 from vector<16xf32>
    %broadcast_in_dim3A_258 = vector.broadcast %reduce_sum3A_257 : f32 to vector<16xf32>
    %add3A_259 = arith.constant 7 : i32
    %add3A_260 = vector.broadcast %add3A_259 : i32 to vector<16xi32>
    %add3A_261 = arith.addi %mul3A_198, %add3A_260 : vector<16xi32>
    tpu.vector_store_idx %arg10[%add3A_261], %broadcast_in_dim3A_258 masked %eq3A_2 : memref<4224xf32, #tpu.memory_space<vmem>>[vector<16xi32>], vector<16xf32>, vector<16xi1>
    %reduce_sum3A_262 = arith.constant true
    %reduce_sum3A_263 = vector.broadcast %reduce_sum3A_262 : i1 to vector<16xi1>
    %reduce_sum3A_264 = tpu.scan <sum>, %broadcast_in_dim3A_3 masked %reduce_sum3A_263 : vector<16xf32>, vector<16xi1> -> vector<16xf32>
    %reduce_sum3A_265 = vector.extract %reduce_sum3A_264[15] : f32 from vector<16xf32>
    %broadcast_in_dim3A_266 = vector.broadcast %reduce_sum3A_265 : f32 to vector<16xf32>
    %add3A_267 = arith.constant 8 : i32
    %add3A_268 = vector.broadcast %add3A_267 : i32 to vector<16xi32>
    %add3A_269 = arith.addi %mul3A_198, %add3A_268 : vector<16xi32>
    tpu.vector_store_idx %arg10[%add3A_269], %broadcast_in_dim3A_266 masked %eq3A_2 : memref<4224xf32, #tpu.memory_space<vmem>>[vector<16xi32>], vector<16xf32>, vector<16xi1>
    %reduce_sum3A_270 = arith.constant true
    %reduce_sum3A_271 = vector.broadcast %reduce_sum3A_270 : i1 to vector<16xi1>
    %reduce_sum3A_272 = tpu.scan <sum>, %broadcast_in_dim3A_3 masked %reduce_sum3A_271 : vector<16xf32>, vector<16xi1> -> vector<16xf32>
    %reduce_sum3A_273 = vector.extract %reduce_sum3A_272[15] : f32 from vector<16xf32>
    %broadcast_in_dim3A_274 = vector.broadcast %reduce_sum3A_273 : f32 to vector<16xf32>
    %add3A_275 = arith.constant 9 : i32
    %add3A_276 = vector.broadcast %add3A_275 : i32 to vector<16xi32>
    %add3A_277 = arith.addi %mul3A_198, %add3A_276 : vector<16xi32>
    tpu.vector_store_idx %arg10[%add3A_277], %broadcast_in_dim3A_274 masked %eq3A_2 : memref<4224xf32, #tpu.memory_space<vmem>>[vector<16xi32>], vector<16xf32>, vector<16xi1>
    %reduce_sum3A_278 = arith.constant true
    %reduce_sum3A_279 = vector.broadcast %reduce_sum3A_278 : i1 to vector<16xi1>
    %reduce_sum3A_280 = tpu.scan <sum>, %broadcast_in_dim3A_3 masked %reduce_sum3A_279 : vector<16xf32>, vector<16xi1> -> vector<16xf32>
    %reduce_sum3A_281 = vector.extract %reduce_sum3A_280[15] : f32 from vector<16xf32>
    %broadcast_in_dim3A_282 = vector.broadcast %reduce_sum3A_281 : f32 to vector<16xf32>
    %add3A_283 = arith.constant 10 : i32
    %add3A_284 = vector.broadcast %add3A_283 : i32 to vector<16xi32>
    %add3A_285 = arith.addi %mul3A_198, %add3A_284 : vector<16xi32>
    tpu.vector_store_idx %arg10[%add3A_285], %broadcast_in_dim3A_282 masked %eq3A_2 : memref<4224xf32, #tpu.memory_space<vmem>>[vector<16xi32>], vector<16xf32>, vector<16xi1>
    %reduce_sum3A_286 = arith.constant true
    %reduce_sum3A_287 = vector.broadcast %reduce_sum3A_286 : i1 to vector<16xi1>
    %reduce_sum3A_288 = tpu.scan <sum>, %broadcast_in_dim3A_3 masked %reduce_sum3A_287 : vector<16xf32>, vector<16xi1> -> vector<16xf32>
    %reduce_sum3A_289 = vector.extract %reduce_sum3A_288[15] : f32 from vector<16xf32>
    %broadcast_in_dim3A_290 = vector.broadcast %reduce_sum3A_289 : f32 to vector<16xf32>
    %add3A_291 = arith.constant 11 : i32
    %add3A_292 = vector.broadcast %add3A_291 : i32 to vector<16xi32>
    %add3A_293 = arith.addi %mul3A_198, %add3A_292 : vector<16xi32>
    tpu.vector_store_idx %arg10[%add3A_293], %broadcast_in_dim3A_290 masked %eq3A_2 : memref<4224xf32, #tpu.memory_space<vmem>>[vector<16xi32>], vector<16xf32>, vector<16xi1>
    %reduce_sum3A_294 = arith.constant true
    %reduce_sum3A_295 = vector.broadcast %reduce_sum3A_294 : i1 to vector<16xi1>
    %reduce_sum3A_296 = tpu.scan <sum>, %broadcast_in_dim3A_3 masked %reduce_sum3A_295 : vector<16xf32>, vector<16xi1> -> vector<16xf32>
    %reduce_sum3A_297 = vector.extract %reduce_sum3A_296[15] : f32 from vector<16xf32>
    %broadcast_in_dim3A_298 = vector.broadcast %reduce_sum3A_297 : f32 to vector<16xf32>
    %add3A_299 = arith.constant 12 : i32
    %add3A_300 = vector.broadcast %add3A_299 : i32 to vector<16xi32>
    %add3A_301 = arith.addi %mul3A_198, %add3A_300 : vector<16xi32>
    tpu.vector_store_idx %arg10[%add3A_301], %broadcast_in_dim3A_298 masked %eq3A_2 : memref<4224xf32, #tpu.memory_space<vmem>>[vector<16xi32>], vector<16xf32>, vector<16xi1>
    %reduce_sum3A_302 = arith.constant true
    %reduce_sum3A_303 = vector.broadcast %reduce_sum3A_302 : i1 to vector<16xi1>
    %reduce_sum3A_304 = tpu.scan <sum>, %broadcast_in_dim3A_3 masked %reduce_sum3A_303 : vector<16xf32>, vector<16xi1> -> vector<16xf32>
    %reduce_sum3A_305 = vector.extract %reduce_sum3A_304[15] : f32 from vector<16xf32>
    %broadcast_in_dim3A_306 = vector.broadcast %reduce_sum3A_305 : f32 to vector<16xf32>
    %add3A_307 = arith.constant 13 : i32
    %add3A_308 = vector.broadcast %add3A_307 : i32 to vector<16xi32>
    %add3A_309 = arith.addi %mul3A_198, %add3A_308 : vector<16xi32>
    tpu.vector_store_idx %arg10[%add3A_309], %broadcast_in_dim3A_306 masked %eq3A_2 : memref<4224xf32, #tpu.memory_space<vmem>>[vector<16xi32>], vector<16xf32>, vector<16xi1>
    %reduce_sum3A_310 = arith.constant true
    %reduce_sum3A_311 = vector.broadcast %reduce_sum3A_310 : i1 to vector<16xi1>
    %reduce_sum3A_312 = tpu.scan <sum>, %broadcast_in_dim3A_3 masked %reduce_sum3A_311 : vector<16xf32>, vector<16xi1> -> vector<16xf32>
    %reduce_sum3A_313 = vector.extract %reduce_sum3A_312[15] : f32 from vector<16xf32>
    %broadcast_in_dim3A_314 = vector.broadcast %reduce_sum3A_313 : f32 to vector<16xf32>
    %add3A_315 = arith.constant 14 : i32
    %add3A_316 = vector.broadcast %add3A_315 : i32 to vector<16xi32>
    %add3A_317 = arith.addi %mul3A_198, %add3A_316 : vector<16xi32>
    tpu.vector_store_idx %arg10[%add3A_317], %broadcast_in_dim3A_314 masked %eq3A_2 : memref<4224xf32, #tpu.memory_space<vmem>>[vector<16xi32>], vector<16xf32>, vector<16xi1>
    %reduce_sum3A_318 = arith.constant true
    %reduce_sum3A_319 = vector.broadcast %reduce_sum3A_318 : i1 to vector<16xi1>
    %reduce_sum3A_320 = tpu.scan <sum>, %broadcast_in_dim3A_3 masked %reduce_sum3A_319 : vector<16xf32>, vector<16xi1> -> vector<16xf32>
    %reduce_sum3A_321 = vector.extract %reduce_sum3A_320[15] : f32 from vector<16xf32>
    %broadcast_in_dim3A_322 = vector.broadcast %reduce_sum3A_321 : f32 to vector<16xf32>
    %add3A_323 = arith.constant 15 : i32
    %add3A_324 = vector.broadcast %add3A_323 : i32 to vector<16xi32>
    %add3A_325 = arith.addi %mul3A_198, %add3A_324 : vector<16xi32>
    tpu.vector_store_idx %arg10[%add3A_325], %broadcast_in_dim3A_322 masked %eq3A_2 : memref<4224xf32, #tpu.memory_space<vmem>>[vector<16xi32>], vector<16xf32>, vector<16xi1>
    %reduce_sum3A_326 = arith.constant true
    %reduce_sum3A_327 = vector.broadcast %reduce_sum3A_326 : i1 to vector<16xi1>
    %reduce_sum3A_328 = tpu.scan <sum>, %broadcast_in_dim3A_3 masked %reduce_sum3A_327 : vector<16xf32>, vector<16xi1> -> vector<16xf32>
    %reduce_sum3A_329 = vector.extract %reduce_sum3A_328[15] : f32 from vector<16xf32>
    %broadcast_in_dim3A_330 = vector.broadcast %reduce_sum3A_329 : f32 to vector<16xf32>
    %add3A_331 = arith.addi %mul3A_198, %iota3A : vector<16xi32>
    tpu.vector_store_idx %arg11[%add3A_331], %broadcast_in_dim3A_330 : memref<4224xf32, #tpu.memory_space<vmem>>[vector<16xi32>], vector<16xf32>,
    %mul3A_332 = arith.constant 4224 : i32
    %mul3A_333 = arith.muli %add3A, %mul3A_332 : i32
    "tpu.region"() ({
      %run_scoped3A = tpu.sem_alloc : memref<!tpu.dma_semaphore, #tpu.memory_space<semaphore_mem>>
      %dma_start3A_336 = tpu.memref_slice %arg4[%mul3A_333] : memref<135168xf32, #tpu.memory_space<hbm>> -> memref<4224xf32, #tpu.memory_space<hbm>>
      %dma_start3A_337 = tpu.memref_slice %arg4[%mul3A_333] : memref<135168xf32, #tpu.memory_space<hbm>> -> memref<4224xf32, #tpu.memory_space<hbm>>
      tpu.enqueue_dma source(%arg10 : memref<4224xf32, #tpu.memory_space<vmem>>) target(%dma_start3A_337 : memref<4224xf32, #tpu.memory_space<hbm>>) target_semaphore(%run_scoped3A : memref<!tpu.dma_semaphore, #tpu.memory_space<semaphore_mem>>)
      %dma_wait3A_338 = tpu.memref_slice %arg4[%mul3A_333] : memref<135168xf32, #tpu.memory_space<hbm>> -> memref<4224xf32, #tpu.memory_space<hbm>>
      %dma_wait3A_339 = tpu.memref_slice %arg4[%mul3A_333] : memref<135168xf32, #tpu.memory_space<hbm>> -> memref<4224xf32, #tpu.memory_space<hbm>>
      tpu.wait_dma2 semaphore(%run_scoped3A : memref<!tpu.dma_semaphore, #tpu.memory_space<semaphore_mem>>) src(%arg10 : memref<4224xf32, #tpu.memory_space<vmem>>) dst(%dma_wait3A_339 : memref<4224xf32, #tpu.memory_space<hbm>>)
      tpu.yield
    }) : () -> ()
    %mul3A_334 = arith.constant 4224 : i32
    %mul3A_335 = arith.muli %add3A, %mul3A_334 : i32
    "tpu.region"() ({
      %run_scoped3A = tpu.sem_alloc : memref<!tpu.dma_semaphore, #tpu.memory_space<semaphore_mem>>
      %dma_start3A_336 = tpu.memref_slice %arg5[%mul3A_335] : memref<135168xf32, #tpu.memory_space<hbm>> -> memref<4224xf32, #tpu.memory_space<hbm>>
      %dma_start3A_337 = tpu.memref_slice %arg5[%mul3A_335] : memref<135168xf32, #tpu.memory_space<hbm>> -> memref<4224xf32, #tpu.memory_space<hbm>>
      tpu.enqueue_dma source(%arg11 : memref<4224xf32, #tpu.memory_space<vmem>>) target(%dma_start3A_337 : memref<4224xf32, #tpu.memory_space<hbm>>) target_semaphore(%run_scoped3A : memref<!tpu.dma_semaphore, #tpu.memory_space<semaphore_mem>>)
      %dma_wait3A_338 = tpu.memref_slice %arg5[%mul3A_335] : memref<135168xf32, #tpu.memory_space<hbm>> -> memref<4224xf32, #tpu.memory_space<hbm>>
      %dma_wait3A_339 = tpu.memref_slice %arg5[%mul3A_335] : memref<135168xf32, #tpu.memory_space<hbm>> -> memref<4224xf32, #tpu.memory_space<hbm>>
      tpu.wait_dma2 semaphore(%run_scoped3A : memref<!tpu.dma_semaphore, #tpu.memory_space<semaphore_mem>>) src(%arg11 : memref<4224xf32, #tpu.memory_space<vmem>>) dst(%dma_wait3A_339 : memref<4224xf32, #tpu.memory_space<hbm>>)
      tpu.yield
    }) : () -> ()
    return
  }
}

module attributes {stable_mosaic.version = 14 : i64} {
  func.func @body(%arg0: memref<1056x128xf32, #tpu.memory_space<vmem>>, %arg1: memref<1056x128xf32, #tpu.memory_space<vmem>>, %arg2: memref<128x1024xf32, #tpu.memory_space<vmem>>, %arg3: memref<1x1024xf32, #tpu.memory_space<vmem>>, %arg4: memref<128x128xf32, #tpu.memory_space<vmem>>, %arg5: memref<1x128xf32, #tpu.memory_space<vmem>>, %arg6: memref<256x128xf32, #tpu.memory_space<vmem>>) attributes {dimension_semantics = [], scalar_prefetch = 0 : i64, scratch_operands = 0 : i64, tpu.core_type = #tpu.core_type<tc>} {
    %get3A = arith.constant 0 : index
    %get3A_0 = arith.constant 0 : index
    %get3A_1 = vector.load %arg0[%get3A, %get3A_0] : memref<1056x128xf32, #tpu.memory_space<vmem>>, vector<33x128xf32>
    %get3A_2 = arith.constant 0 : index
    %get3A_3 = arith.constant 0 : index
    %get3A_4 = vector.load %arg1[%get3A_2, %get3A_3] : memref<1056x128xf32, #tpu.memory_space<vmem>>, vector<33x128xf32>
    %get3A_5 = arith.constant 33 : index
    %get3A_6 = arith.constant 0 : index
    %get3A_7 = vector.load %arg0[%get3A_5, %get3A_6] : memref<1056x128xf32, #tpu.memory_space<vmem>>, vector<33x128xf32>
    %add3A = arith.addf %get3A_1, %get3A_7 : vector<33x128xf32>
    %get3A_8 = arith.constant 33 : index
    %get3A_9 = arith.constant 0 : index
    %get3A_10 = vector.load %arg1[%get3A_8, %get3A_9] : memref<1056x128xf32, #tpu.memory_space<vmem>>, vector<33x128xf32>
    %add3A_11 = arith.addf %get3A_4, %get3A_10 : vector<33x128xf32>
    %get3A_12 = arith.constant 66 : index
    %get3A_13 = arith.constant 0 : index
    %get3A_14 = vector.load %arg0[%get3A_12, %get3A_13] : memref<1056x128xf32, #tpu.memory_space<vmem>>, vector<33x128xf32>
    %add3A_15 = arith.addf %add3A, %get3A_14 : vector<33x128xf32>
    %get3A_16 = arith.constant 66 : index
    %get3A_17 = arith.constant 0 : index
    %get3A_18 = vector.load %arg1[%get3A_16, %get3A_17] : memref<1056x128xf32, #tpu.memory_space<vmem>>, vector<33x128xf32>
    %add3A_19 = arith.addf %add3A_11, %get3A_18 : vector<33x128xf32>
    %get3A_20 = arith.constant 99 : index
    %get3A_21 = arith.constant 0 : index
    %get3A_22 = vector.load %arg0[%get3A_20, %get3A_21] : memref<1056x128xf32, #tpu.memory_space<vmem>>, vector<33x128xf32>
    %add3A_23 = arith.addf %add3A_15, %get3A_22 : vector<33x128xf32>
    %get3A_24 = arith.constant 99 : index
    %get3A_25 = arith.constant 0 : index
    %get3A_26 = vector.load %arg1[%get3A_24, %get3A_25] : memref<1056x128xf32, #tpu.memory_space<vmem>>, vector<33x128xf32>
    %add3A_27 = arith.addf %add3A_19, %get3A_26 : vector<33x128xf32>
    %get3A_28 = arith.constant 132 : index
    %get3A_29 = arith.constant 0 : index
    %get3A_30 = vector.load %arg0[%get3A_28, %get3A_29] : memref<1056x128xf32, #tpu.memory_space<vmem>>, vector<33x128xf32>
    %add3A_31 = arith.addf %add3A_23, %get3A_30 : vector<33x128xf32>
    %get3A_32 = arith.constant 132 : index
    %get3A_33 = arith.constant 0 : index
    %get3A_34 = vector.load %arg1[%get3A_32, %get3A_33] : memref<1056x128xf32, #tpu.memory_space<vmem>>, vector<33x128xf32>
    %add3A_35 = arith.addf %add3A_27, %get3A_34 : vector<33x128xf32>
    %get3A_36 = arith.constant 165 : index
    %get3A_37 = arith.constant 0 : index
    %get3A_38 = vector.load %arg0[%get3A_36, %get3A_37] : memref<1056x128xf32, #tpu.memory_space<vmem>>, vector<33x128xf32>
    %add3A_39 = arith.addf %add3A_31, %get3A_38 : vector<33x128xf32>
    %get3A_40 = arith.constant 165 : index
    %get3A_41 = arith.constant 0 : index
    %get3A_42 = vector.load %arg1[%get3A_40, %get3A_41] : memref<1056x128xf32, #tpu.memory_space<vmem>>, vector<33x128xf32>
    %add3A_43 = arith.addf %add3A_35, %get3A_42 : vector<33x128xf32>
    %get3A_44 = arith.constant 198 : index
    %get3A_45 = arith.constant 0 : index
    %get3A_46 = vector.load %arg0[%get3A_44, %get3A_45] : memref<1056x128xf32, #tpu.memory_space<vmem>>, vector<33x128xf32>
    %add3A_47 = arith.addf %add3A_39, %get3A_46 : vector<33x128xf32>
    %get3A_48 = arith.constant 198 : index
    %get3A_49 = arith.constant 0 : index
    %get3A_50 = vector.load %arg1[%get3A_48, %get3A_49] : memref<1056x128xf32, #tpu.memory_space<vmem>>, vector<33x128xf32>
    %add3A_51 = arith.addf %add3A_43, %get3A_50 : vector<33x128xf32>
    %get3A_52 = arith.constant 231 : index
    %get3A_53 = arith.constant 0 : index
    %get3A_54 = vector.load %arg0[%get3A_52, %get3A_53] : memref<1056x128xf32, #tpu.memory_space<vmem>>, vector<33x128xf32>
    %add3A_55 = arith.addf %add3A_47, %get3A_54 : vector<33x128xf32>
    %get3A_56 = arith.constant 231 : index
    %get3A_57 = arith.constant 0 : index
    %get3A_58 = vector.load %arg1[%get3A_56, %get3A_57] : memref<1056x128xf32, #tpu.memory_space<vmem>>, vector<33x128xf32>
    %add3A_59 = arith.addf %add3A_51, %get3A_58 : vector<33x128xf32>
    %get3A_60 = arith.constant 264 : index
    %get3A_61 = arith.constant 0 : index
    %get3A_62 = vector.load %arg0[%get3A_60, %get3A_61] : memref<1056x128xf32, #tpu.memory_space<vmem>>, vector<33x128xf32>
    %add3A_63 = arith.addf %add3A_55, %get3A_62 : vector<33x128xf32>
    %get3A_64 = arith.constant 264 : index
    %get3A_65 = arith.constant 0 : index
    %get3A_66 = vector.load %arg1[%get3A_64, %get3A_65] : memref<1056x128xf32, #tpu.memory_space<vmem>>, vector<33x128xf32>
    %add3A_67 = arith.addf %add3A_59, %get3A_66 : vector<33x128xf32>
    %get3A_68 = arith.constant 297 : index
    %get3A_69 = arith.constant 0 : index
    %get3A_70 = vector.load %arg0[%get3A_68, %get3A_69] : memref<1056x128xf32, #tpu.memory_space<vmem>>, vector<33x128xf32>
    %add3A_71 = arith.addf %add3A_63, %get3A_70 : vector<33x128xf32>
    %get3A_72 = arith.constant 297 : index
    %get3A_73 = arith.constant 0 : index
    %get3A_74 = vector.load %arg1[%get3A_72, %get3A_73] : memref<1056x128xf32, #tpu.memory_space<vmem>>, vector<33x128xf32>
    %add3A_75 = arith.addf %add3A_67, %get3A_74 : vector<33x128xf32>
    %get3A_76 = arith.constant 330 : index
    %get3A_77 = arith.constant 0 : index
    %get3A_78 = vector.load %arg0[%get3A_76, %get3A_77] : memref<1056x128xf32, #tpu.memory_space<vmem>>, vector<33x128xf32>
    %add3A_79 = arith.addf %add3A_71, %get3A_78 : vector<33x128xf32>
    %get3A_80 = arith.constant 330 : index
    %get3A_81 = arith.constant 0 : index
    %get3A_82 = vector.load %arg1[%get3A_80, %get3A_81] : memref<1056x128xf32, #tpu.memory_space<vmem>>, vector<33x128xf32>
    %add3A_83 = arith.addf %add3A_75, %get3A_82 : vector<33x128xf32>
    %get3A_84 = arith.constant 363 : index
    %get3A_85 = arith.constant 0 : index
    %get3A_86 = vector.load %arg0[%get3A_84, %get3A_85] : memref<1056x128xf32, #tpu.memory_space<vmem>>, vector<33x128xf32>
    %add3A_87 = arith.addf %add3A_79, %get3A_86 : vector<33x128xf32>
    %get3A_88 = arith.constant 363 : index
    %get3A_89 = arith.constant 0 : index
    %get3A_90 = vector.load %arg1[%get3A_88, %get3A_89] : memref<1056x128xf32, #tpu.memory_space<vmem>>, vector<33x128xf32>
    %add3A_91 = arith.addf %add3A_83, %get3A_90 : vector<33x128xf32>
    %get3A_92 = arith.constant 396 : index
    %get3A_93 = arith.constant 0 : index
    %get3A_94 = vector.load %arg0[%get3A_92, %get3A_93] : memref<1056x128xf32, #tpu.memory_space<vmem>>, vector<33x128xf32>
    %add3A_95 = arith.addf %add3A_87, %get3A_94 : vector<33x128xf32>
    %get3A_96 = arith.constant 396 : index
    %get3A_97 = arith.constant 0 : index
    %get3A_98 = vector.load %arg1[%get3A_96, %get3A_97] : memref<1056x128xf32, #tpu.memory_space<vmem>>, vector<33x128xf32>
    %add3A_99 = arith.addf %add3A_91, %get3A_98 : vector<33x128xf32>
    %get3A_100 = arith.constant 429 : index
    %get3A_101 = arith.constant 0 : index
    %get3A_102 = vector.load %arg0[%get3A_100, %get3A_101] : memref<1056x128xf32, #tpu.memory_space<vmem>>, vector<33x128xf32>
    %add3A_103 = arith.addf %add3A_95, %get3A_102 : vector<33x128xf32>
    %get3A_104 = arith.constant 429 : index
    %get3A_105 = arith.constant 0 : index
    %get3A_106 = vector.load %arg1[%get3A_104, %get3A_105] : memref<1056x128xf32, #tpu.memory_space<vmem>>, vector<33x128xf32>
    %add3A_107 = arith.addf %add3A_99, %get3A_106 : vector<33x128xf32>
    %get3A_108 = arith.constant 462 : index
    %get3A_109 = arith.constant 0 : index
    %get3A_110 = vector.load %arg0[%get3A_108, %get3A_109] : memref<1056x128xf32, #tpu.memory_space<vmem>>, vector<33x128xf32>
    %add3A_111 = arith.addf %add3A_103, %get3A_110 : vector<33x128xf32>
    %get3A_112 = arith.constant 462 : index
    %get3A_113 = arith.constant 0 : index
    %get3A_114 = vector.load %arg1[%get3A_112, %get3A_113] : memref<1056x128xf32, #tpu.memory_space<vmem>>, vector<33x128xf32>
    %add3A_115 = arith.addf %add3A_107, %get3A_114 : vector<33x128xf32>
    %get3A_116 = arith.constant 495 : index
    %get3A_117 = arith.constant 0 : index
    %get3A_118 = vector.load %arg0[%get3A_116, %get3A_117] : memref<1056x128xf32, #tpu.memory_space<vmem>>, vector<33x128xf32>
    %add3A_119 = arith.addf %add3A_111, %get3A_118 : vector<33x128xf32>
    %get3A_120 = arith.constant 495 : index
    %get3A_121 = arith.constant 0 : index
    %get3A_122 = vector.load %arg1[%get3A_120, %get3A_121] : memref<1056x128xf32, #tpu.memory_space<vmem>>, vector<33x128xf32>
    %add3A_123 = arith.addf %add3A_115, %get3A_122 : vector<33x128xf32>
    %get3A_124 = arith.constant 528 : index
    %get3A_125 = arith.constant 0 : index
    %get3A_126 = vector.load %arg0[%get3A_124, %get3A_125] : memref<1056x128xf32, #tpu.memory_space<vmem>>, vector<33x128xf32>
    %add3A_127 = arith.addf %add3A_119, %get3A_126 : vector<33x128xf32>
    %get3A_128 = arith.constant 528 : index
    %get3A_129 = arith.constant 0 : index
    %get3A_130 = vector.load %arg1[%get3A_128, %get3A_129] : memref<1056x128xf32, #tpu.memory_space<vmem>>, vector<33x128xf32>
    %add3A_131 = arith.addf %add3A_123, %get3A_130 : vector<33x128xf32>
    %get3A_132 = arith.constant 561 : index
    %get3A_133 = arith.constant 0 : index
    %get3A_134 = vector.load %arg0[%get3A_132, %get3A_133] : memref<1056x128xf32, #tpu.memory_space<vmem>>, vector<33x128xf32>
    %add3A_135 = arith.addf %add3A_127, %get3A_134 : vector<33x128xf32>
    %get3A_136 = arith.constant 561 : index
    %get3A_137 = arith.constant 0 : index
    %get3A_138 = vector.load %arg1[%get3A_136, %get3A_137] : memref<1056x128xf32, #tpu.memory_space<vmem>>, vector<33x128xf32>
    %add3A_139 = arith.addf %add3A_131, %get3A_138 : vector<33x128xf32>
    %get3A_140 = arith.constant 594 : index
    %get3A_141 = arith.constant 0 : index
    %get3A_142 = vector.load %arg0[%get3A_140, %get3A_141] : memref<1056x128xf32, #tpu.memory_space<vmem>>, vector<33x128xf32>
    %add3A_143 = arith.addf %add3A_135, %get3A_142 : vector<33x128xf32>
    %get3A_144 = arith.constant 594 : index
    %get3A_145 = arith.constant 0 : index
    %get3A_146 = vector.load %arg1[%get3A_144, %get3A_145] : memref<1056x128xf32, #tpu.memory_space<vmem>>, vector<33x128xf32>
    %add3A_147 = arith.addf %add3A_139, %get3A_146 : vector<33x128xf32>
    %get3A_148 = arith.constant 627 : index
    %get3A_149 = arith.constant 0 : index
    %get3A_150 = vector.load %arg0[%get3A_148, %get3A_149] : memref<1056x128xf32, #tpu.memory_space<vmem>>, vector<33x128xf32>
    %add3A_151 = arith.addf %add3A_143, %get3A_150 : vector<33x128xf32>
    %get3A_152 = arith.constant 627 : index
    %get3A_153 = arith.constant 0 : index
    %get3A_154 = vector.load %arg1[%get3A_152, %get3A_153] : memref<1056x128xf32, #tpu.memory_space<vmem>>, vector<33x128xf32>
    %add3A_155 = arith.addf %add3A_147, %get3A_154 : vector<33x128xf32>
    %get3A_156 = arith.constant 660 : index
    %get3A_157 = arith.constant 0 : index
    %get3A_158 = vector.load %arg0[%get3A_156, %get3A_157] : memref<1056x128xf32, #tpu.memory_space<vmem>>, vector<33x128xf32>
    %add3A_159 = arith.addf %add3A_151, %get3A_158 : vector<33x128xf32>
    %get3A_160 = arith.constant 660 : index
    %get3A_161 = arith.constant 0 : index
    %get3A_162 = vector.load %arg1[%get3A_160, %get3A_161] : memref<1056x128xf32, #tpu.memory_space<vmem>>, vector<33x128xf32>
    %add3A_163 = arith.addf %add3A_155, %get3A_162 : vector<33x128xf32>
    %get3A_164 = arith.constant 693 : index
    %get3A_165 = arith.constant 0 : index
    %get3A_166 = vector.load %arg0[%get3A_164, %get3A_165] : memref<1056x128xf32, #tpu.memory_space<vmem>>, vector<33x128xf32>
    %add3A_167 = arith.addf %add3A_159, %get3A_166 : vector<33x128xf32>
    %get3A_168 = arith.constant 693 : index
    %get3A_169 = arith.constant 0 : index
    %get3A_170 = vector.load %arg1[%get3A_168, %get3A_169] : memref<1056x128xf32, #tpu.memory_space<vmem>>, vector<33x128xf32>
    %add3A_171 = arith.addf %add3A_163, %get3A_170 : vector<33x128xf32>
    %get3A_172 = arith.constant 726 : index
    %get3A_173 = arith.constant 0 : index
    %get3A_174 = vector.load %arg0[%get3A_172, %get3A_173] : memref<1056x128xf32, #tpu.memory_space<vmem>>, vector<33x128xf32>
    %add3A_175 = arith.addf %add3A_167, %get3A_174 : vector<33x128xf32>
    %get3A_176 = arith.constant 726 : index
    %get3A_177 = arith.constant 0 : index
    %get3A_178 = vector.load %arg1[%get3A_176, %get3A_177] : memref<1056x128xf32, #tpu.memory_space<vmem>>, vector<33x128xf32>
    %add3A_179 = arith.addf %add3A_171, %get3A_178 : vector<33x128xf32>
    %get3A_180 = arith.constant 759 : index
    %get3A_181 = arith.constant 0 : index
    %get3A_182 = vector.load %arg0[%get3A_180, %get3A_181] : memref<1056x128xf32, #tpu.memory_space<vmem>>, vector<33x128xf32>
    %add3A_183 = arith.addf %add3A_175, %get3A_182 : vector<33x128xf32>
    %get3A_184 = arith.constant 759 : index
    %get3A_185 = arith.constant 0 : index
    %get3A_186 = vector.load %arg1[%get3A_184, %get3A_185] : memref<1056x128xf32, #tpu.memory_space<vmem>>, vector<33x128xf32>
    %add3A_187 = arith.addf %add3A_179, %get3A_186 : vector<33x128xf32>
    %get3A_188 = arith.constant 792 : index
    %get3A_189 = arith.constant 0 : index
    %get3A_190 = vector.load %arg0[%get3A_188, %get3A_189] : memref<1056x128xf32, #tpu.memory_space<vmem>>, vector<33x128xf32>
    %add3A_191 = arith.addf %add3A_183, %get3A_190 : vector<33x128xf32>
    %get3A_192 = arith.constant 792 : index
    %get3A_193 = arith.constant 0 : index
    %get3A_194 = vector.load %arg1[%get3A_192, %get3A_193] : memref<1056x128xf32, #tpu.memory_space<vmem>>, vector<33x128xf32>
    %add3A_195 = arith.addf %add3A_187, %get3A_194 : vector<33x128xf32>
    %get3A_196 = arith.constant 825 : index
    %get3A_197 = arith.constant 0 : index
    %get3A_198 = vector.load %arg0[%get3A_196, %get3A_197] : memref<1056x128xf32, #tpu.memory_space<vmem>>, vector<33x128xf32>
    %add3A_199 = arith.addf %add3A_191, %get3A_198 : vector<33x128xf32>
    %get3A_200 = arith.constant 825 : index
    %get3A_201 = arith.constant 0 : index
    %get3A_202 = vector.load %arg1[%get3A_200, %get3A_201] : memref<1056x128xf32, #tpu.memory_space<vmem>>, vector<33x128xf32>
    %add3A_203 = arith.addf %add3A_195, %get3A_202 : vector<33x128xf32>
    %get3A_204 = arith.constant 858 : index
    %get3A_205 = arith.constant 0 : index
    %get3A_206 = vector.load %arg0[%get3A_204, %get3A_205] : memref<1056x128xf32, #tpu.memory_space<vmem>>, vector<33x128xf32>
    %add3A_207 = arith.addf %add3A_199, %get3A_206 : vector<33x128xf32>
    %get3A_208 = arith.constant 858 : index
    %get3A_209 = arith.constant 0 : index
    %get3A_210 = vector.load %arg1[%get3A_208, %get3A_209] : memref<1056x128xf32, #tpu.memory_space<vmem>>, vector<33x128xf32>
    %add3A_211 = arith.addf %add3A_203, %get3A_210 : vector<33x128xf32>
    %get3A_212 = arith.constant 891 : index
    %get3A_213 = arith.constant 0 : index
    %get3A_214 = vector.load %arg0[%get3A_212, %get3A_213] : memref<1056x128xf32, #tpu.memory_space<vmem>>, vector<33x128xf32>
    %add3A_215 = arith.addf %add3A_207, %get3A_214 : vector<33x128xf32>
    %get3A_216 = arith.constant 891 : index
    %get3A_217 = arith.constant 0 : index
    %get3A_218 = vector.load %arg1[%get3A_216, %get3A_217] : memref<1056x128xf32, #tpu.memory_space<vmem>>, vector<33x128xf32>
    %add3A_219 = arith.addf %add3A_211, %get3A_218 : vector<33x128xf32>
    %get3A_220 = arith.constant 924 : index
    %get3A_221 = arith.constant 0 : index
    %get3A_222 = vector.load %arg0[%get3A_220, %get3A_221] : memref<1056x128xf32, #tpu.memory_space<vmem>>, vector<33x128xf32>
    %add3A_223 = arith.addf %add3A_215, %get3A_222 : vector<33x128xf32>
    %get3A_224 = arith.constant 924 : index
    %get3A_225 = arith.constant 0 : index
    %get3A_226 = vector.load %arg1[%get3A_224, %get3A_225] : memref<1056x128xf32, #tpu.memory_space<vmem>>, vector<33x128xf32>
    %add3A_227 = arith.addf %add3A_219, %get3A_226 : vector<33x128xf32>
    %get3A_228 = arith.constant 957 : index
    %get3A_229 = arith.constant 0 : index
    %get3A_230 = vector.load %arg0[%get3A_228, %get3A_229] : memref<1056x128xf32, #tpu.memory_space<vmem>>, vector<33x128xf32>
    %add3A_231 = arith.addf %add3A_223, %get3A_230 : vector<33x128xf32>
    %get3A_232 = arith.constant 957 : index
    %get3A_233 = arith.constant 0 : index
    %get3A_234 = vector.load %arg1[%get3A_232, %get3A_233] : memref<1056x128xf32, #tpu.memory_space<vmem>>, vector<33x128xf32>
    %add3A_235 = arith.addf %add3A_227, %get3A_234 : vector<33x128xf32>
    %get3A_236 = arith.constant 990 : index
    %get3A_237 = arith.constant 0 : index
    %get3A_238 = vector.load %arg0[%get3A_236, %get3A_237] : memref<1056x128xf32, #tpu.memory_space<vmem>>, vector<33x128xf32>
    %add3A_239 = arith.addf %add3A_231, %get3A_238 : vector<33x128xf32>
    %get3A_240 = arith.constant 990 : index
    %get3A_241 = arith.constant 0 : index
    %get3A_242 = vector.load %arg1[%get3A_240, %get3A_241] : memref<1056x128xf32, #tpu.memory_space<vmem>>, vector<33x128xf32>
    %add3A_243 = arith.addf %add3A_235, %get3A_242 : vector<33x128xf32>
    %get3A_244 = arith.constant 1023 : index
    %get3A_245 = arith.constant 0 : index
    %get3A_246 = vector.load %arg0[%get3A_244, %get3A_245] : memref<1056x128xf32, #tpu.memory_space<vmem>>, vector<33x128xf32>
    %add3A_247 = arith.addf %add3A_239, %get3A_246 : vector<33x128xf32>
    %get3A_248 = arith.constant 1023 : index
    %get3A_249 = arith.constant 0 : index
    %get3A_250 = vector.load %arg1[%get3A_248, %get3A_249] : memref<1056x128xf32, #tpu.memory_space<vmem>>, vector<33x128xf32>
    %add3A_251 = arith.addf %add3A_243, %get3A_250 : vector<33x128xf32>
    %max3A = arith.constant 1.000000e+00 : f32
    %max3A_252 = vector.broadcast %max3A : f32 to vector<33x128xf32>
    %max3A_253 = arith.maximumf %add3A_251, %max3A_252 : vector<33x128xf32>
    %div3A = arith.divf %add3A_247, %max3A_253 : vector<33x128xf32>
    %get3A_254 = arith.constant 0 : index
    %get3A_255 = arith.constant 0 : index
    %get3A_256 = vector.load %arg2[%get3A_254, %get3A_255] : memref<128x1024xf32, #tpu.memory_space<vmem>>, vector<128x1024xf32>
    %dot_general3A = arith.constant dense<0.000000e+00> : vector<33x1024xf32>
    %dot_general3A_257 = tpu.matmul %div3A, %get3A_256, %dot_general3A {dimension_numbers = #tpu.dot_dimension_numbers<[1], [0], [0], [1], [0, 0, 1, 1], [], []>, transpose_lhs_hint = false} : vector<33x128xf32>, vector<128x1024xf32>, vector<33x1024xf32> -> vector<33x1024xf32>
    %get3A_258 = arith.constant 0 : index
    %get3A_259 = arith.constant 0 : index
    %get3A_260 = vector.load %arg3[%get3A_258, %get3A_259] : memref<1x1024xf32, #tpu.memory_space<vmem>>, vector<1x1024xf32>
    %add3A_261 = vector.broadcast %get3A_260 : vector<1x1024xf32> to vector<33x1024xf32>
    %add3A_262 = arith.addf %dot_general3A_257, %add3A_261 : vector<33x1024xf32>
    %max3A_263 = arith.constant 0.000000e+00 : f32
    %max3A_264 = vector.broadcast %max3A_263 : f32 to vector<33x1024xf32>
    %max3A_265 = arith.maximumf %add3A_262, %max3A_264 : vector<33x1024xf32>
    %reshape3A = vector.shape_cast %max3A_265 : vector<33x1024xf32> to vector<264x128xf32>
    %get3A_266 = arith.constant 0 : index
    %get3A_267 = arith.constant 0 : index
    %get3A_268 = vector.load %arg4[%get3A_266, %get3A_267] : memref<128x128xf32, #tpu.memory_space<vmem>>, vector<128x128xf32>
    %dot_general3A_269 = arith.constant dense<0.000000e+00> : vector<264x128xf32>
    %dot_general3A_270 = tpu.matmul %reshape3A, %get3A_268, %dot_general3A_269 {dimension_numbers = #tpu.dot_dimension_numbers<[1], [0], [0], [1], [0, 0, 1, 1], [], []>, transpose_lhs_hint = false} : vector<264x128xf32>, vector<128x128xf32>, vector<264x128xf32> -> vector<264x128xf32>
    %slice3A = vector.extract_strided_slice %dot_general3A_270 {offsets = [0, 0], sizes = [256, 128], strides = [1, 1]} : vector<264x128xf32> to vector<256x128xf32>
    %get3A_271 = arith.constant 0 : index
    %get3A_272 = arith.constant 0 : index
    %get3A_273 = vector.load %arg5[%get3A_271, %get3A_272] : memref<1x128xf32, #tpu.memory_space<vmem>>, vector<1x128xf32>
    %add3A_274 = vector.broadcast %get3A_273 : vector<1x128xf32> to vector<256x128xf32>
    %add3A_275 = arith.addf %slice3A, %add3A_274 : vector<256x128xf32>
    %swap3A = arith.constant 0 : index
    %swap3A_276 = arith.constant 0 : index
    %swap3A_277 = vector.load %arg6[%swap3A, %swap3A_276] : memref<256x128xf32, #tpu.memory_space<vmem>>, vector<256x128xf32>
    tpu.vector_store %arg6[%swap3A, %swap3A_276], %add3A_275 {strides = array<i32>} : memref<256x128xf32, #tpu.memory_space<vmem>>, vector<256x128xf32>,
    return
  }
}

</mosaic_0001>

<sc_bundles>
// kernel: kernel.4.cloned.1.call-start
scs
__scs_entry_jumppad:
0x0: {  	(pc) =	sbr.rel $0x88, $3  }
0x1: {  	(tag) =	ssettag $0x0;
	lr =	simm.s32 $0x1  }
0x2: {  	[smem:$0x3F9B] =	sst lr;
	_ =	strace $0xD0000000  }
0x3: {  	_ = 	snop  }
0x4: {  	_ = 	snop  }
0x5: {  	_ = 	snop  }
0x6: {  	_ = 	snop  }
0x7: {  	_ = 	snop  }
__scs_overlays_trampoline_lowered:
0x8: {  	[smem:$0x3FAA] =	sst s0  }
0x9: {  	[smem:$0x3FAB] =	sst s1  }
0xa: {  	[smem:$0x3FAC] =	sst s2  }
0xb: {  	[smem:$0x3FAD] =	sst s3  }
0xc: {  	[smem:$0x3FAE] =	sst s4  }
0xd: {  	[smem:$0x3FAF] =	sst s5  }
0xe: {  	[smem:$0x3FB0] =	sst s6  }
0xf: {  	[smem:$0x3FB1] =	sst s7  }
0x10: {  	[smem:$0x3FB2] =	sst s8  }
0x11: {  	[smem:$0x3FB3] =	sst s9;
	s0 =	simm.s32 @!p0 $0x0  }
0x12: {  	s1 =	sld [smem:$0x3F99];
	s0 =	simm.s32 @p0 $0x1  }
0x13: {  	[smem:$0x3FB4] =	sst s0;
	s0 =	simm.s32 @!p1 $0x0  }
0x14: {  	s2 =	sld [smem:$0x3F98];
	s0 =	simm.s32 @p1 $0x1  }
0x15: {  	[smem:$0x3FB5] =	sst s0;
	s0 =	simm.s32 @!p2 $0x0  }
0x16: {  	s3 =	sld [smem:$0x3FDB];
	s0 =	simm.s32 @p2 $0x1  }
0x17: {  	s4 =	simm.s32 $0x1BF5;
	[smem:$0x3FB7] =	sst s0  }
0x18: {  	s0 =	sld [smem:$0x3F9A];
	_ =	swait.ge [sflag:s4], $0x0  }
0x19: {  	s7 =	sld [smem:$0x3F9B]  }
0x1a: {  	s8 =	sadd.s32 $0xFFFFE003, lr  }
0x1b: {  	s9 =	sadd.s32 $0xFFFFFEF7, lr;
	s5 =	simm.s32 $0xFFFFFFFF;
	p2 =	slt.u32 s8, $0xFFFFF086  }
0x1c: {  	p1 =	slt.u32 s9, $0xF7A;
	s5 =	simm.s32 @!p2 $0x0  }
0x1d: {  	s5 =	simm.s32 @p1 $0x1;
	p0 =	seq.s32 s7, s2  }
0x1e: {  	s7 =	smul.u32 @!p0 $0xF7A, s2;
	p2 =	seq.s32 @!p0 s5, $0x0  }
0x1f: {  	s9 =	smul.u32 $0xF7A, s1;
	s8 =	simm.s32 @!p0 $0x1BF5;
	p2 =	por !p2, p0  }
0x20: {  	[sflag:s8] =	ssyncset.s32 @!p0 $0xFFFFF086;
	s6 =	sadd.s32 @!p0 s3, s7;
	s7 =	simm.s32 @!p0 $0x108  }
0x21: {  	s3 =	sadd.s32 s3, s9;
	s6 =	sadd.s32 @!p0 $0x88, s6;
	s7 =	simm.s32 @p2 $0x1082  }
0x22: {  	[simem:s7], [sflag:s8] =	dma.local @!p0 [hbm:s6], $0xF7A  }
0x23: {  	s9 =	sor.u32 $0xD0000000, s2;
	s6 =	simm.s32 $0x108;
	_ =	swait.ge @!p0 [sflag:s8], $0x0  }
0x24: {  	s3 =	sadd.s32 $0x88, s3;
	s6 =	simm.s32 @!p1 $0x1082;
	[sflag:s4] =	ssyncset.s32 $0xFFFFF086  }
0x25: {  	[simem:s6], [sflag:s4] =	dma.local [hbm:s3], $0xF7A  }
0x26: {  	[smem:$0x3F9B] =	sst s1;
	(tag) =	ssettag s2;
	_ =	strace s9  }
0x27: {  	s1 =	sld [smem:$0x3FAB]  }
0x28: {  	s2 =	sld [smem:$0x3FAC]  }
0x29: {  	s4 =	sld [smem:$0x3FAE]  }
0x2a: {  	p0 =	seq.s32 s5, $0x0;
	s5 =	sld [smem:$0x3FAF]  }
0x2b: {  	s6 =	sld [smem:$0x3FB0]  }
0x2c: {  	s7 =	sld [smem:$0x3FB1]  }
0x2d: {  	s3 =	simm.s32 $0x108;
	s8 =	sld [smem:$0x3FB2]  }
0x2e: {  	s3 =	simm.s32 @!p0 $0x1082;
	s9 =	sld [smem:$0x3FB3]  }
0x2f: {  	lr =	sadd.s32 s0, s3;
	s0 =	sld [smem:$0x3FAA]  }
0x30: {  	s3 =	sld [smem:$0x3FAD]  }
0x31: {  	[smem:$0x3FB6] =	sst s10  }
0x32: {  	s10 =	sld [smem:$0x3FB4];
	_ =	sdelay $0x3  }
0x33: {  	p0 =	seq.s32 s10, $0x1;
	s10 =	sld [smem:$0x3FB6];
	_ =	sdelay $0x3  }
0x34: {  	[smem:$0x3FB6] =	sst s10  }
0x35: {  	s10 =	sld [smem:$0x3FB5];
	_ =	sdelay $0x3  }
0x36: {  	p1 =	seq.s32 s10, $0x1;
	s10 =	sld [smem:$0x3FB6];
	_ =	sdelay $0x3  }
0x37: {  	[smem:$0x3FB6] =	sst s10  }
0x38: {  	s10 =	sld [smem:$0x3FB7]  }
0x39: {  	_ = 	snop;
	(pc) =	sbr.ind lr, $3  }
0x3a: {  	_ = 	snop  }
0x3b: {  	_ = 	snop  }
0x3c: {  	p2 =	seq.s32 s10, $0x1;
	s10 =	sld [smem:$0x3FB6]  }
0x3d: {  	_ =	shalt  }
0x3e: {  	_ =	shalt  }
0x3f: {  	_ =	shalt  }
0x40: {  	_ =	shalt  }
0x41: {  	_ =	shalt  }
0x42: {  	_ =	shalt  }
0x43: {  	_ =	shalt  }
0x44: {  	_ =	shalt  }
0x45: {  	_ =	shalt  }
0x46: {  	_ =	shalt  }
0x47: {  	_ =	shalt  }
0x48: {  	_ =	shalt  }
0x49: {  	_ =	shalt  }
0x4a: {  	_ =	shalt  }
0x4b: {  	_ =	shalt  }
0x4c: {  	_ =	shalt  }
0x4d: {  	_ =	shalt  }
0x4e: {  	_ =	shalt  }
0x4f: {  	_ =	shalt  }
0x50: {  	_ =	shalt  }
0x51: {  	_ =	shalt  }
0x52: {  	_ =	shalt  }
0x53: {  	_ =	shalt  }
0x54: {  	_ =	shalt  }
0x55: {  	_ =	shalt  }
0x56: {  	_ =	shalt  }
0x57: {  	_ =	shalt  }
0x58: {  	_ =	shalt  }
0x59: {  	_ =	shalt  }
0x5a: {  	_ =	shalt  }
0x5b: {  	_ =	shalt  }
0x5c: {  	_ =	shalt  }
0x5d: {  	_ =	shalt  }
0x5e: {  	_ =	shalt  }
0x5f: {  	_ =	shalt  }
0x60: {  	_ =	shalt  }
0x61: {  	_ =	shalt  }
0x62: {  	_ =	shalt  }
0x63: {  	_ =	shalt  }
0x64: {  	_ =	shalt  }
0x65: {  	_ =	shalt  }
0x66: {  	_ =	shalt  }
0x67: {  	_ =	shalt  }
0x68: {  	_ =	shalt  }
0x69: {  	_ =	shalt  }
0x6a: {  	_ =	shalt  }
0x6b: {  	_ =	shalt  }
0x6c: {  	_ =	shalt  }
0x6d: {  	_ =	shalt  }
0x6e: {  	_ =	shalt  }
0x6f: {  	_ =	shalt  }
0x70: {  	_ =	shalt  }
0x71: {  	_ =	shalt  }
0x72: {  	_ =	shalt  }
0x73: {  	_ =	shalt  }
0x74: {  	_ =	shalt  }
0x75: {  	_ =	shalt  }
0x76: {  	_ =	shalt  }
0x77: {  	_ =	shalt  }
0x78: {  	_ =	shalt  }
0x79: {  	_ =	shalt  }
0x7a: {  	_ =	shalt  }
0x7b: {  	_ =	shalt  }
0x7c: {  	_ =	shalt  }
0x7d: {  	_ =	shalt  }
0x7e: {  	_ =	shalt  }
0x7f: {  	_ =	shalt  }
0x80: {  	_ =	shalt  }
0x81: {  	_ =	shalt  }
0x82: {  	_ =	shalt  }
0x83: {  	_ =	shalt  }
0x84: {  	_ =	shalt  }
0x85: {  	_ =	shalt  }
0x86: {  	_ =	shalt  }
0x87: {  	_ =	shalt  }
.Lfunc_end0:
.L_simem_size_0:
called_computation_lowered:
.L_overlay_start_0:
0x88: {  	s2 =	sld [smem:$0x3FD9]  }
0x89: {  	s3 =	sld [smem:$0x3FFE];
	_ =	sdelay $0x1  }
0x8a: {  	s1 =	srdreg.scid  }
0x8b: {  	s0 =	sand.u32 $0x1, s1  }
0x8c: {  	s17 =	sshll.u32 s0, $0xA;
	s2 =	sadd.s32 s3, s2  }
0x8d: {  	s2 =	sadd.s32 s2, s17  }
0x8e: {  	[smem:$0x3FC2] =	sst s2  }
0x8f: {  	_ = 	snop  }
0x90: {  	s2 =	sld [smem:$0x3FC9]  }
0x91: {  	s18 =	sld [smem:$0x3FC8];
	(tm) =	ssettm $0x1  }
0x92: {  	s4 =	sld [smem:$0x3FFB];
	_ =	sdelay $0x3  }
0x93: {  	_ =	strace s4  }
0x94: {  	s4 =	sld [smem:$0x3FFC];
	_ =	sdelay $0x3  }
0x95: {  	_ =	strace s4  }
0x96: {  	s4 =	sld [smem:$0x3FFD];
	_ =	sdelay $0x3  }
0x97: {  	_ =	strace s4  }
0x98: {  	_ =	strace $0x8FFFFFFF  }
0x99: {  	s19 =	sld [smem:$0x3FDB];
	_ =	sdelay $0x1  }
0x9a: {  	s5 =	simm.s32 $_scs_section_size  }
0x9b: {  	s6 =	simm.s32 $_size__tile_overlayer_lowered;
	s7 =	simm.s32 $_tile_overlayer_lowered  }
0x9c: {  	s22 =	simm.s32 $0x1BFF;
	s21 =	sshll.u32 s7, $0x1;
	s4 =	sadd.s32 s5, s19  }
0x9d: {  	s8 =	simm.s32 $0x0;
	s20 =	sshll.u32 s6, $0x1;
	s6 =	sadd.s32 s21, s4  }
0x9e: {  	[timem:s8], [sflag:s22] =	dma.local [hbm:s6], s20  }
0x9f: {  	_ =	swait.ge [sflag:s22], s20  }
0xa0: {  	s5 =	ssub.s32 $0x0, s20;
	[sflag:s22] =	ssyncset.done $0x0  }
0xa1: {  	[sflag:s22] =	ssyncadd.s32 s5;
	_ =	sdelay $0x1  }
0xa2: {  	s23 =	simm.s32 $0x1B8B  }
0xa3: {  	_ =	swait.ge [sflag:s23], $0x1  }
0xa4: {  	[sflag:s23] =	ssyncset.done $0x0  }
0xa5: {  	s25 =	simm.s32 $0x1B8E;
	s24 =	sld [smem:$0x3FFE];
	[sflag:s23] =	ssyncadd.s32 $0xFFFFFFFF  }
0xa6: {  	s26 =	simm.s32 $execute0_lowered;
	[smem:$0x3FD2] =	sst s25  }
0xa7: {  	s6 =	sshll.u32 s26, $0x1;
	_ =	strace $0x80000046;
	[dreg:$0x1] =	wrdreg $0xFFFFFFFF  }
0xa8: {  	s28 =	simm.s32 $_size_execute0_lowered;
	s4 =	sadd.s32 s4, s6;
	[dreg:$0x0] =	wrdreg $0x0  }
0xa9: {  	s6 =	sshll.u32 s28, $0x1;
	[dreg:$0x2] =	wrdreg s4  }
0xaa: {  	[dreg:$0x3] =	wrdreg s6  }
0xab: {  	[dreg:$0x4] =	wrdreg $0xC0  }
0xac: {  	_ =	task [dreg:s8], $0x5FFFF  }
0xad: {  	[dreg:$0x1] =	wrdreg $0xFFFFFFFF  }
0xae: {  	[dreg:$0x0] =	wrdreg $0x60  }
0xaf: {  	[dreg:$0x2] =	wrdreg s2  }
0xb0: {  	[dreg:$0x3] =	wrdreg s18  }
0xb1: {  	[dreg:$0x4] =	wrdreg s24  }
0xb2: {  	[dreg:$0x5] =	wrdreg $0x9  }
0xb3: {  	_ =	task.clear_ibuf [dreg:s8], $0x6FFFF;
	_ =	strace $0x90000046  }
0xb4: {  	s29 =	simm.s32 $0x9;
	_ =	strace $0x80000048  }
0xb5: {  	_ =	swait.ge [sflag:s29], $0x1  }
0xb6: {  	[sflag:s29] =	ssyncadd.s32 $0xFFFFFFFF  }
0xb7: {  	_ =	strace $0x90000048  }
0xb8: {  	_ =	sfence  }
0xb9: {  	s30 =	sld [smem:$0x0];
	_ =	sdelay $0x2  }
0xba: {  	s31 =	sshll.u32 s1, $0xD;
	s1 =	sshrl.u32 s1, $0x2  }
0xbb: {  	s3 =	sand.u32 $0x4000, s31;
	s1 =	sadd.s32 s1, s30  }
0xbc: {  	s0 =	sor.u32 s3, s0;
	s1 =	sshll.u32 s1, $0x11  }
0xbd: {  	s0 =	sor.u32 s1, s0  }
0xbe: {  	s0 =	sadd.s32 $0x8F2B, s0  }
0xbf: {  	[sflag:s0] =	ssyncadd.remote.s32 $0x1  }
0xc0: {  	_ =	sfence.sel $0xFFFF  }
0xc1: {  	[dreg:$0x0] =	wrdreg $0xFFFFFFFF;
	(pc) =	sbr.abs _section_cstart, $3  }
0xc2: {  	[dreg:$0x1] =	wrdreg $0xFFFFFFFF  }
0xc3: {  	_ =	task.clear_ibuf [dreg:s8], $0x2FFFF;
	_ =	strace $0x9FFFFFFF  }
0xc4: {  	(tm) =	ssettm $0x7FFFFFFF  }
0xc5: {  	_ =	shalt  }
tec
execute0_lowered:
.L_overlay_start_1:
0x0: {  	(tag) =	ssettag $0x1  }
0x1: {  	s1 =	srdreg.scid  }
0x2: {  	s21 =	stileid.u32;
	s1 =	sand.u32 $0x1, s1  }
0x3: {  	s0 =	rddreg [dreg:$0x0];
	s23 =	smul.u32 $0x5000, s21;
	s5 =	sshll.u32 s1, $0x4  }
0x4: {  	s3 =	rddreg [dreg:$0x1];
	s24 =	smul.u32 $0xA00, s21;
	s5 =	sor.u32 s21, s5  }
0x5: {  	s4 =	rddreg [dreg:$0x2];
	s6 =	smul.u32 $0x210, s5  }
0x6: {  	s2 =	simm.s32 $0x0;
	s28 =	simm.s32 $0x1;
	s8 =	smul.u32 $0x154, s5  }
0x7: {  	s29 =	simm.s32 $0x2;
	s30 =	simm.s32 $0x15400;
	s10 =	smul.u32 $0x5000, s5  }
0x8: {  	s31 =	simm.s32 $0x16480;
	s11 =	sor.u32 $0x20, s5;
	s12 =	smul.u32 $0x140, s5  }
0x9: {  	[smem:$0x7FF] =	sst s2;
	s7 =	ssub.s32 $0x2, s1;
	s26 =	smul.u32 $0x5000, s11  }
0xa: {  	s9 =	sshrl.u32 s7, $0x1;
	s5 =	sor.u32 $0x240, s5;
	s11 =	smul.u32 $0x140, s11  }
0xb: {  	_ =	strace $0x80000047;
	s14 =	ssub.s32 s7, s9;
	s15 =	smul.u32 $0x5000, s5  }
0xc: {  	s5 =	smul.u32 $0x140, s5;
	s14 =	smax.u32 s14, $0x1;
	s4 =	sadd.s32 s6, s4  }
0xd: {  	s9 =	sshrl.u32 s8, $0x5;
	s10 =	sshrl.u32 s10, $0x3;
	s17 =	sadd.s32 s3, s12  }
0xe: {  	s13 =	sadd.s32 $0x2F80, s9;
	s16 =	sadd.s32 s0, s10;
	s6 =	sshrl.u32 s26, $0x3  }
0xf: {  	[dreg:$0x6] =	wrdreg s17;
	s10 =	sadd.s32 s3, s11;
	s22 =	sshrl.u32 s15, $0x3  }
0x10: {  	s17 =	sadd.s32 s3, s5;
	[dreg:$0x4] =	wrdreg s16;
	s7 =	sadd.s32 $0x186A00, s16  }
0x11: {  	v0 =	vimm.f32 $0.0e+00;
	s6 =	sadd.s32 s0, s6;
	s18 =	sshll.u32 s13, $0x7;
	s12 =	sshll.u32 s13, $0x4  }
0x12: {  	(xrf2) =	vadd.scan.msk.f32 $0xffff, v0;
	s13 =	sadd.s32 $0x5600, s4;
	s15 =	sadd.s32 s0, s22;
	[dreg:$0x5] =	wrdreg s7  }
0x13: {  	s22 =	simm.s32 $0x5000;
	[dreg:$0x7] =	wrdreg s6;
	s6 =	sadd.s32 $0x186A00, s6  }
0x14: {  	s8 =	sadd.s32 s0, s18;
	s20 =	sand.u32 $0x1FFFFFF0, s12;
	s18 =	smul.u32 $0x1400, s1  }
0x15: {  	s12 =	sadd.s32 $0x1400, s4;
	s11 =	sadd.s32 s3, s20;
	s20 =	smul.u32 $0x50000, s1  }
0x16: {  	[dreg:$0x8] =	wrdreg s6;
	s19 =	sadd.s32 $0x186A00, s8;
	s1 =	smul.u32 $0xA000, s1  }
0x17: {  	v2 =	vimm.s32 $0x1000;
	s16 =	sadd.s32 $0x186A00, s15;
	[dreg:$0x9] =	wrdreg s19;
	s19 =	smul.u32 $0x140, s21  }
0x18: {  	v3 =	vimm.s32 $0x1001;
	v4 =	vimm.s32 $0x1002;
	v5 =	vimm.s32 $0x1003;
	s3 =	sadd.s32 s18, s3;
	s4 =	sadd.s32 s23, s20;
	s1 =	sadd.s32 s1, s0  }
0x19: {  	v6 =	vimm.s32 $0x1004;
	v7 =	vimm.s32 $0x1005;
	v8 =	vimm.s32 $0x1006;
	s23 =	simm.s32 $0x14000;
	s3 =	sadd.s32 s19, s3;
	s25 =	sadd.s32 $0xE15000, s4  }
0x1a: {  	v9 =	vimm.s32 $0x1007;
	v10 =	vimm.s32 $0x1008;
	v11 =	vimm.s32 $0x1009;
	s4 =	sadd.s32 $0xD75000, s4;
	s19 =	sadd.s32 s24, s1;
	s24 =	simm.s32 $0xA000  }
0x1b: {  	v12 =	vimm.s32 $0x100A;
	v13 =	vimm.s32 $0x100B;
	v14 =	vimm.s32 $0x100C;
	s1 =	simm.s32 $0x0;
	s3 =	sadd.s32 $0x7800, s3;
	s18 =	sshrl.u32 s25, $0x3  }
0x1c: {  	v15 =	vimm.s32 $0x100D;
	v18 =	vlaneseq.u32;
	v16 =	vimm.s32 $0x100E;
	v1, _, _ =	vpop (xrf2);
	s26 =	sshrl.u32 s4, $0x3;
	s25 =	simm.s32 $0xF000;
	s20 =	sadd.s32 s18, s0  }
0x1d: {  	v17 =	vimm.s32 $0x100F;
	v18 =	vor.u32 $0x1000, v18;
	v1 =	vbroadcast v1, $0xF;
	s21 =	sadd.s32 s26, s0;
	s26 =	simm.s32 $0x14A00;
	s0 =	simm.s32 $0x3  }
.LBB2_1:
0x1e: {  	s4 =	simm.s32 $0x40;
	s5 =	simm.s32 $0x0  }
.LBB2_2:
0x1f: {  	p0 =	sne.s32 s4, $0x41C0;
	[tilespmem:s5+$0x15400] =	vst v0;
	s18 =	smov.u32 s4;
	s4 =	sadd.s32 $0x40, s4  }
.Ltmp0:
0x20: {  	[tilespmem:s5+$0x16480] =	vst v0;
	(pc) =	sbr.rel @p0 .LBB2_2-.Ltmp0, $2  }
0x21: {  	_ =	sdelay $0x2  }
0x22: {  	s5 =	sshra.s32 s18, $0x2  }
0x23: {  	[tilespmem:s5+$0x15400] =	vst v0  }
0x24: {  	[tilespmem:s5+$0x16480] =	vst v0;
	s4 =	simm.s32 $0x0;
	s9 =	rddreg [dreg:$0x4]  }
0x25: {  	[tilespmem:s4], [sflag:$0x1] =	stream.linear.gather [hbm4b:s9+s4], $0x5000, $0x38;
	[tilespmem:$0x17500] =	vst v63  }
0x26: {  	s18 =	rddreg [dreg:$0x5]  }
0x27: {  	[tilespmem:s22], [sflag:$0x1] =	stream.linear.gather [hbm4b:s18+s4], $0x5000, $0x38;
	[tilespmem:$0x17500] =	vst v63  }
0x28: {  	s6 =	rddreg [dreg:$0x6]  }
0x29: {  	[tilespmem:s23], [sflag:$0x1] =	stream.linear.gather [hbm4b:s6+s4], $0xA00, $0x38;
	[tilespmem:$0x17500] =	vst v63  }
0x2a: {  	s7 =	rddreg [dreg:$0x7]  }
0x2b: {  	[tilespmem:s24], [sflag:$0x2] =	stream.linear.gather [hbm4b:s7+s4], $0x5000, $0x38;
	[tilespmem:$0x17500] =	vst v63  }
0x2c: {  	s9 =	rddreg [dreg:$0x8]  }
0x2d: {  	[tilespmem:s25], [sflag:$0x2] =	stream.linear.gather [hbm4b:s9+s4], $0x5000, $0x38;
	[tilespmem:$0x17500] =	vst v63  }
0x2e: {  	_ = 	snop  }
0x2f: {  	[tilespmem:s26], [sflag:$0x2] =	stream.linear.gather [hbm4b:s10+s4], $0xA00, $0x38;
	[tilespmem:$0x17500] =	vst v63  }
0x30: {  	_ =	swait.ge [sflag:s28], $0x5000  }
0x31: {  	[sflag:s28] =	ssyncset.done $0x0  }
0x32: {  	[sflag:s28] =	ssyncadd.s32 $0xFFFFB000  }
0x33: {  	_ =	swait.ge [sflag:s28], $0x5000  }
0x34: {  	[sflag:s28] =	ssyncset.done $0x0  }
0x35: {  	[sflag:s28] =	ssyncadd.s32 $0xFFFFB000  }
0x36: {  	_ =	swait.ge [sflag:s28], $0xA00  }
0x37: {  	s18 =	sadd.s32 $0x0, s19;
	[sflag:s28] =	ssyncset.done $0x0  }
0x38: {  	s6 =	sadd.s32 $0x28000, s18;
	[sflag:s28] =	ssyncadd.s32 $0xFFFFF600  }
0x39: {  	[tilespmem:s2], [sflag:$0x1] =	stream.linear.gather [hbm4b:s6+s2], $0x5000, $0x38;
	[tilespmem:$0x17500] =	vst v63  }
0x3a: {  	s7 =	sadd.s32 $0x0, s21  }
0x3b: {  	[tilespmem:s22], [sflag:$0x1] =	stream.linear.gather [hbm4b:s7+s2], $0x5000, $0x38;
	[tilespmem:$0x17500] =	vst v63  }
0x3c: {  	s9 =	sadd.s32 $0xFFFFD800, s3  }
0x3d: {  	[tilespmem:s23], [sflag:$0x1] =	stream.linear.gather [hbm4b:s9+s2], $0xA00, $0x38;
	[tilespmem:$0x17500] =	vst v63  }
0x3e: {  	_ =	swait.ge [sflag:s29], $0x5000  }
0x3f: {  	[sflag:s29] =	ssyncset.done $0x0  }
0x40: {  	[sflag:s29] =	ssyncadd.s32 $0xFFFFB000  }
0x41: {  	_ =	swait.ge [sflag:s29], $0x5000  }
0x42: {  	[sflag:s29] =	ssyncset.done $0x0  }
0x43: {  	[sflag:s29] =	ssyncadd.s32 $0xFFFFB000  }
0x44: {  	_ =	swait.ge [sflag:s29], $0xA00  }
0x45: {  	[sflag:s29] =	ssyncset.done $0x0  }
0x46: {  	s4 =	sadd.s32 $0x3C000, s18;
	[sflag:s29] =	ssyncadd.s32 $0xFFFFF600  }
0x47: {  	[tilespmem:s24], [sflag:$0x2] =	stream.linear.gather [hbm4b:s4+s2], $0x5000, $0x38;
	[tilespmem:$0x17500] =	vst v63  }
0x48: {  	s18 =	sadd.s32 $0x0, s20  }
0x49: {  	[tilespmem:s25], [sflag:$0x2] =	stream.linear.gather [hbm4b:s18+s2], $0x5000, $0x38;
	[tilespmem:$0x17500] =	vst v63  }
0x4a: {  	s5 =	sadd.s32 $0x5000, s3;
	s4 =	simm.s32 $0x28000;
	s18 =	smov.u32 s3  }
.LBB2_4:
0x4b: {  	[tilespmem:s26], [sflag:$0x2] =	stream.linear.gather [hbm4b:s18+s2], $0xA00, $0x38;
	[tilespmem:$0x17500] =	vst v63  }
0x4c: {  	s7 =	smov.u32 s4;
	s18 =	smov.u32 s5  }
0x4d: {  	p0 =	sne.s32 s4, $0x118000;
	s4 =	sadd.s32 $0x28000, s4;
	_ =	swait.ge [sflag:s28], $0x5000  }
0x4e: {  	[sflag:s28] =	ssyncset.done $0x0  }
0x4f: {  	[sflag:s28] =	ssyncadd.s32 $0xFFFFB000  }
0x50: {  	_ =	swait.ge [sflag:s28], $0x5000  }
0x51: {  	[sflag:s28] =	ssyncset.done $0x0  }
0x52: {  	[sflag:s28] =	ssyncadd.s32 $0xFFFFB000  }
0x53: {  	_ =	swait.ge [sflag:s28], $0xA00  }
0x54: {  	s9 =	sadd.s32 s7, s19;
	[sflag:s28] =	ssyncset.done $0x0  }
0x55: {  	s6 =	sadd.s32 $0x28000, s9;
	[sflag:s28] =	ssyncadd.s32 $0xFFFFF600  }
0x56: {  	[tilespmem:s2], [sflag:$0x1] =	stream.linear.gather [hbm4b:s6+s2], $0x5000, $0x38;
	[tilespmem:$0x17500] =	vst v63  }
0x57: {  	s6 =	sadd.s32 s7, s21  }
0x58: {  	[tilespmem:s22], [sflag:$0x1] =	stream.linear.gather [hbm4b:s6+s2], $0x5000, $0x38;
	[tilespmem:$0x17500] =	vst v63  }
0x59: {  	s6 =	sadd.s32 $0xFFFFD800, s5  }
0x5a: {  	[tilespmem:s23], [sflag:$0x1] =	stream.linear.gather [hbm4b:s6+s2], $0xA00, $0x38;
	[tilespmem:$0x17500] =	vst v63  }
0x5b: {  	_ =	swait.ge [sflag:s29], $0x5000  }
0x5c: {  	[sflag:s29] =	ssyncset.done $0x0  }
0x5d: {  	[sflag:s29] =	ssyncadd.s32 $0xFFFFB000  }
0x5e: {  	_ =	swait.ge [sflag:s29], $0x5000  }
0x5f: {  	[sflag:s29] =	ssyncset.done $0x0  }
0x60: {  	[sflag:s29] =	ssyncadd.s32 $0xFFFFB000  }
0x61: {  	_ =	swait.ge [sflag:s29], $0xA00  }
0x62: {  	[sflag:s29] =	ssyncset.done $0x0  }
.Ltmp1:
0x63: {  	s6 =	sadd.s32 $0x3C000, s9;
	[sflag:s29] =	ssyncadd.s32 $0xFFFFF600;
	(pc) =	sbr.rel @p0 .LBB2_4-.Ltmp1, $4  }
0x64: {  	[tilespmem:s24], [sflag:$0x2] =	stream.linear.gather [hbm4b:s6+s2], $0x5000, $0x38;
	[tilespmem:$0x17500] =	vst v63  }
0x65: {  	s6 =	sadd.s32 s7, s20  }
0x66: {  	[tilespmem:s25], [sflag:$0x2] =	stream.linear.gather [hbm4b:s6+s2], $0x5000, $0x38;
	[tilespmem:$0x17500] =	vst v63  }
0x67: {  	s5 =	sadd.s32 $0x5000, s5  }
0x68: {  	[tilespmem:s26], [sflag:$0x2] =	stream.linear.gather [hbm4b:s18+s2], $0xA00, $0x38;
	[tilespmem:$0x17500] =	vst v63  }
0x69: {  	_ =	swait.ge [sflag:s28], $0x5000  }
0x6a: {  	[sflag:s28] =	ssyncset.done $0x0  }
0x6b: {  	[sflag:s28] =	ssyncadd.s32 $0xFFFFB000  }
0x6c: {  	_ =	swait.ge [sflag:s28], $0x5000  }
0x6d: {  	[sflag:s28] =	ssyncset.done $0x0  }
0x6e: {  	[sflag:s28] =	ssyncadd.s32 $0xFFFFB000  }
0x6f: {  	_ =	swait.ge [sflag:s28], $0xA00  }
0x70: {  	[sflag:s28] =	ssyncset.done $0x0  }
0x71: {  	[sflag:s28] =	ssyncadd.s32 $0xFFFFF600  }
0x72: {  	[tilespmem:s2], [sflag:$0x1] =	stream.linear.gather [hbm4b:s15+s2], $0x5000, $0x38;
	[tilespmem:$0x17500] =	vst v63  }
0x73: {  	_ = 	snop  }
0x74: {  	[tilespmem:s22], [sflag:$0x1] =	stream.linear.gather [hbm4b:s16+s2], $0x5000, $0x38;
	[tilespmem:$0x17500] =	vst v63  }
0x75: {  	_ = 	snop  }
0x76: {  	[tilespmem:s23], [sflag:$0x1] =	stream.linear.gather [hbm4b:s17+s2], $0xA00, $0x38;
	[tilespmem:$0x17500] =	vst v63  }
0x77: {  	_ =	swait.ge [sflag:s29], $0x5000  }
0x78: {  	[sflag:s29] =	ssyncset.done $0x0  }
0x79: {  	[sflag:s29] =	ssyncadd.s32 $0xFFFFB000  }
0x7a: {  	_ =	swait.ge [sflag:s29], $0x5000  }
0x7b: {  	[sflag:s29] =	ssyncset.done $0x0  }
0x7c: {  	[sflag:s29] =	ssyncadd.s32 $0xFFFFB000  }
0x7d: {  	_ =	swait.ge [sflag:s29], $0xA00  }
0x7e: {  	[sflag:s29] =	ssyncset.done $0x0  }
0x7f: {  	[sflag:s29] =	ssyncadd.s32 $0xFFFFF600  }
0x80: {  	_ =	swait.ge [sflag:s28], $0x5000  }
0x81: {  	[sflag:s28] =	ssyncset.done $0x0  }
0x82: {  	[sflag:s28] =	ssyncadd.s32 $0xFFFFB000  }
0x83: {  	_ =	swait.ge [sflag:s28], $0x5000  }
0x84: {  	[sflag:s28] =	ssyncset.done $0x0  }
0x85: {  	[sflag:s28] =	ssyncadd.s32 $0xFFFFB000  }
0x86: {  	_ =	swait.ge [sflag:s28], $0xA00  }
0x87: {  	[sflag:s28] =	ssyncset.done $0x0  }
0x88: {  	[sflag:s28] =	ssyncadd.s32 $0xFFFFF600  }
0x89: {  	[tilespmem:s24], [sflag:$0x2] =	stream.linear.gather [hbm4b:s8+s2], $0x2C00, $0x38;
	[tilespmem:$0x17500] =	vst v63  }
0x8a: {  	s4 =	rddreg [dreg:$0x9]  }
0x8b: {  	[tilespmem:s25], [sflag:$0x2] =	stream.linear.gather [hbm4b:s4+s2], $0x2C00, $0x38;
	[tilespmem:$0x17500] =	vst v63  }
0x8c: {  	_ = 	snop  }
0x8d: {  	[tilespmem:s26], [sflag:$0x2] =	stream.linear.gather [hbm4b:s11+s2], $0x580, $0x38;
	[tilespmem:$0x17500] =	vst v63  }
0x8e: {  	_ =	swait.ge [sflag:s29], $0x2C00  }
0x8f: {  	[sflag:s29] =	ssyncset.done $0x0  }
0x90: {  	[sflag:s29] =	ssyncadd.s32 $0xFFFFD400  }
0x91: {  	_ =	swait.ge [sflag:s29], $0x2C00  }
0x92: {  	[sflag:s29] =	ssyncset.done $0x0  }
0x93: {  	[sflag:s29] =	ssyncadd.s32 $0xFFFFD400  }
0x94: {  	_ =	swait.ge [sflag:s29], $0x580  }
0x95: {  	[sflag:s29] =	ssyncset.done $0x0  }
0x96: {  	[sflag:s29] =	ssyncadd.s32 $0xFFFFFA80  }
0x97: {  	[tilespmem:v2+s30+$0x0] =	vst.idx.msk $0x1, v1  }
0x98: {  	[tilespmem:v3+s30+$0x0] =	vst.idx.msk $0x1, v1  }
0x99: {  	[tilespmem:v4+s30+$0x0] =	vst.idx.msk $0x1, v1  }
0x9a: {  	[tilespmem:v5+s30+$0x0] =	vst.idx.msk $0x1, v1  }
0x9b: {  	[tilespmem:v6+s30+$0x0] =	vst.idx.msk $0x1, v1  }
0x9c: {  	[tilespmem:v7+s30+$0x0] =	vst.idx.msk $0x1, v1  }
0x9d: {  	[tilespmem:v8+s30+$0x0] =	vst.idx.msk $0x1, v1  }
0x9e: {  	[tilespmem:v9+s30+$0x0] =	vst.idx.msk $0x1, v1  }
0x9f: {  	[tilespmem:v10+s30+$0x0] =	vst.idx.msk $0x1, v1  }
0xa0: {  	[tilespmem:v11+s30+$0x0] =	vst.idx.msk $0x1, v1  }
0xa1: {  	[tilespmem:v12+s30+$0x0] =	vst.idx.msk $0x1, v1  }
0xa2: {  	[tilespmem:v13+s30+$0x0] =	vst.idx.msk $0x1, v1  }
0xa3: {  	[tilespmem:v14+s30+$0x0] =	vst.idx.msk $0x1, v1  }
0xa4: {  	[tilespmem:v15+s30+$0x0] =	vst.idx.msk $0x1, v1  }
0xa5: {  	[tilespmem:v16+s30+$0x0] =	vst.idx.msk $0x1, v1  }
0xa6: {  	[tilespmem:v17+s30+$0x0] =	vst.idx.msk $0x1, v1  }
0xa7: {  	[tilespmem:v18+s31+$0x0] =	vst.idx.msk $0xffff, v1  }
0xa8: {  	[hbm4b:s12+s2] =	stream.linear.scatter [tilespmem:s30], [sflag:$0x3], $0x1080, $0x38;
	[tilespmem:$0x17500] =	vst v63  }
0xa9: {  	s1 =	sadd.s32 $0x1, s1;
	_ =	swait.ge [sflag:s0], $0x1080  }
0xaa: {  	p0 =	sne.s32 s1, s14;
	[sflag:s0] =	ssyncset.done $0x0  }
.Ltmp2:
0xab: {  	[sflag:s0] =	ssyncadd.s32 $0xFFFFEF80;
	(pc) =	sbr.rel @p0 .LBB2_1-.Ltmp2, $4  }
0xac: {  	[hbm4b:s13+s2] =	stream.linear.scatter [tilespmem:s31], [sflag:$0x3], $0x1080, $0x38;
	[tilespmem:$0x17500] =	vst v63  }
0xad: {  	_ =	swait.ge [sflag:s0], $0x1080  }
0xae: {  	[sflag:s0] =	ssyncset.done $0x0  }
0xaf: {  	[sflag:s0] =	ssyncadd.s32 $0xFFFFEF80  }
0xb0: {  	_ =	sfence.sel $0x180000  }
0xb1: {  	[bflag:$0x0] =	sbarrier.arrive $0xFFFF  }
0xb2: {  	_ =	strace $0x90000047  }
0xb3: {  	s0 =	stileid.u32;
	[bflag:$0x2] =	sbarrier.arrive $0xFFFF  }
0xb4: {  	p0 =	sne.s32 s0, $0x0;
	s0 =	rddreg [dreg:$0x3]  }
0xb5: {  	s0 =	sadd.s32 @!p0 $0x100000, s0  }
0xb6: {  	[sflag:s0] =	ssyncadd.tile.s32 @!p0 $0x1;
	_ =	shalt  }
.Lfunc_end2:
_tile_overlayer_lowered:
.L_overlay_start_2:
0xb7: {  	(tag) =	ssettag $0x2  }
0xb8: {  	s0 =	rddreg [dreg:$0x0];
	s2 =	stileid.u32  }
0xb9: {  	s1 =	rddreg [dreg:$0x1];
	p0 =	sne.s32 s2, $0x0  }
0xba: {  	s3 =	rddreg [dreg:$0x2];
	[bflag:$0x3] =	sbarrier.arrive $0xFFFF;
	s2 =	simm.s32 @!p0 $0x1C03  }
0xbb: {  	[timem:s3], [sflag:s2] =	dma.local @!p0 [hbm:s0], s1  }
0xbc: {  	s0 =	simm.s32 @!p0 $0x3  }
0xbd: {  	_ =	swait.ge @!p0 [sflag:s0], s1  }
0xbe: {  	s1 =	ssub.s32 @!p0 $0x0, s1;
	[sflag:s0] =	ssyncset.done @!p0 $0x0  }
0xbf: {  	[sflag:s0] =	ssyncadd.s32 @!p0 s1  }
0xc0: {  	[bflag:$0x3] =	sbarrier.arrive $0xFFFF  }
0xc1: {  	_ =	shalt  }

</sc_bundles>
